<compile_context>
chip_gen: v7x
topology: tpu7x:2x2x1
jax: 0.10.2.dev20260603
libtpu: 0.0.44.dev20260713+nightly
codegen_flags: <defaults>
</compile_context>

<pallas_src>
import jax
import jax.numpy as jnp
from jax import lax
from jax.experimental import pallas as pl
from jax.experimental.pallas import tpu as pltpu
from jax.experimental.pallas import tpu_sc as plsc

_BATCH = 16384
_PERIOD = 50
_HID = 16

_NC = 2
_NS = 16
_NW = _NC * _NS
_N = _BATCH * _HID
_SLICE = _N // _NW


_HALF = _PERIOD // 2
_PIECE = _N // _NS


def _body(w_hbm, out_hbm, w_v, sem):
    c = lax.axis_index("c")
    s = lax.axis_index("s")
    pltpu.sync_copy(w_hbm.at[pl.ds(s * _PIECE, _PIECE)], w_v)
    copies = [
        pltpu.async_copy(
            w_v,
            out_hbm.at[pl.ds((c + 2 * i) * _N + s * _PIECE, _PIECE)],
            sem,
        )
        for i in range(_HALF)
    ]
    for c_ in copies:
        c_.wait()


def kernel(x, W):
    mesh = plsc.VectorSubcoreMesh(core_axis_name="c", subcore_axis_name="s")
    k = pl.kernel(
        _body,
        out_type=jax.ShapeDtypeStruct((_PERIOD * _N,), jnp.float32),
        mesh=mesh,
        scratch_types=[
            pltpu.VMEM((_PIECE,), jnp.float32),
            pltpu.SemaphoreType.DMA,
        ],
    )
    w_flat = W.reshape(128, 128, 2, 8).transpose(2, 0, 3, 1).reshape(-1)
    flat = k(w_flat)
    return (
        flat.reshape(_PERIOD, 2, 128, 8, 128)
        .transpose(2, 4, 0, 1, 3)
        .reshape(_BATCH, _PERIOD, _HID)
    )

# --- scband reference (transcript-rebuilt; emitter-appended) ---
"""Pipeline reference for scband-implicit-embed-39101382263042 (READ-ONLY COPY).

The authoritative reference and input builder live on the scoring server;
editing this copy changes nothing except your own understanding.
"""

import jax, jax.numpy as jnp
import numpy as np

BATCH = 16384
PERIOD = 50
PLEN = 2
FEATURES = 16
HIDDEN_DIM = 16

def setup_inputs(seed: int = 0) -> dict:
    key = jax.random.key(seed)
    k_x, k_w = jax.random.split(key)
    x = jax.random.normal(k_x, (BATCH, PERIOD, PLEN, FEATURES), dtype=jnp.float32)
    # flax nn.Embed default init ~ normal(stddev=1/sqrt(features)); table has num_embeddings = x.shape[0]
    W = jax.random.normal(k_w, (BATCH, HIDDEN_DIM), dtype=jnp.float32) / jnp.sqrt(HIDDEN_DIM)
    return {"x": x, "W": W}

def reference(x, W):
    # embed = Embed(num_embeddings=x.shape[0], features=hidden_dim)(arange(x.shape[0]))
    idx = jnp.arange(x.shape[0])
    embed = jnp.take(W, idx, axis=0)  # [batch, hidden_dim]
    # embed[:, None, :].repeat(x.shape[1], axis=1) -> [batch, period, hidden_dim]
    out = jnp.repeat(embed[:, None, :], x.shape[1], axis=1)
    return out

if __name__ == "__main__":
    import jax
    _d = setup_inputs()
    print(jax.jit(kernel)(*tuple(_d.values())))

</pallas_src>

<mosaic_0001>
#map = affine_map<(d0, d1) -> (0)>
module attributes {stable_mosaic.version = 14 : i64} {
  func.func @_body(%arg0: i32, %arg1: i32, %arg2: memref<262144xf32, #tpu.memory_space<hbm>>, %arg3: memref<13107200xf32, #tpu.memory_space<hbm>>, %arg4: memref<16384xf32, #tpu.memory_space<vmem>>, %arg5: memref<!tpu.dma_semaphore, #tpu.memory_space<semaphore_mem>>) attributes {dimension_semantics = [#tpu.dimension_semantics<core_parallel>, #tpu.dimension_semantics<subcore_parallel>], iteration_bounds = array<i64: 2, 16>, scalar_prefetch = 0 : i64, scratch_operands = 2 : i64, tpu.core_type = #tpu.core_type<sc_vector_subcore>, window_params = [{transform_indices = #map}, {transform_indices = #map}]} {
    %mul3A = arith.constant 16384 : i32
    %mul3A_0 = arith.muli %arg1, %mul3A : i32
    "tpu.region"() ({
      %run_scoped3A = tpu.sem_alloc : memref<!tpu.dma_semaphore, #tpu.memory_space<semaphore_mem>>
      %dma_start3A_273 = tpu.memref_slice %arg2[%mul3A_0] : memref<262144xf32, #tpu.memory_space<hbm>> -> memref<16384xf32, #tpu.memory_space<hbm>>
      %dma_start3A_274 = tpu.memref_slice %arg2[%mul3A_0] : memref<262144xf32, #tpu.memory_space<hbm>> -> memref<16384xf32, #tpu.memory_space<hbm>>
      tpu.enqueue_dma source(%dma_start3A_274 : memref<16384xf32, #tpu.memory_space<hbm>>) target(%arg4 : memref<16384xf32, #tpu.memory_space<vmem>>) target_semaphore(%run_scoped3A : memref<!tpu.dma_semaphore, #tpu.memory_space<semaphore_mem>>)
      %dma_wait3A_275 = tpu.memref_slice %arg2[%mul3A_0] : memref<262144xf32, #tpu.memory_space<hbm>> -> memref<16384xf32, #tpu.memory_space<hbm>>
      %dma_wait3A_276 = tpu.memref_slice %arg2[%mul3A_0] : memref<262144xf32, #tpu.memory_space<hbm>> -> memref<16384xf32, #tpu.memory_space<hbm>>
      tpu.wait_dma2 semaphore(%run_scoped3A : memref<!tpu.dma_semaphore, #tpu.memory_space<semaphore_mem>>) src(%dma_wait3A_276 : memref<16384xf32, #tpu.memory_space<hbm>>) dst(%arg4 : memref<16384xf32, #tpu.memory_space<vmem>>)
      tpu.yield
    }) : () -> ()
    %add3A = arith.constant 0 : i32
    %add3A_1 = arith.addi %arg0, %add3A : i32
    %mul3A_2 = arith.constant 262144 : i32
    %mul3A_3 = arith.muli %add3A_1, %mul3A_2 : i32
    %mul3A_4 = arith.constant 16384 : i32
    %mul3A_5 = arith.muli %arg1, %mul3A_4 : i32
    %add3A_6 = arith.addi %mul3A_3, %mul3A_5 : i32
    %dma_start3A = tpu.memref_slice %arg3[%add3A_6] : memref<13107200xf32, #tpu.memory_space<hbm>> -> memref<16384xf32, #tpu.memory_space<hbm>>
    %dma_start3A_7 = tpu.memref_slice %arg3[%add3A_6] : memref<13107200xf32, #tpu.memory_space<hbm>> -> memref<16384xf32, #tpu.memory_space<hbm>>
    tpu.enqueue_dma source(%arg4 : memref<16384xf32, #tpu.memory_space<vmem>>) target(%dma_start3A_7 : memref<16384xf32, #tpu.memory_space<hbm>>) target_semaphore(%arg5 : memref<!tpu.dma_semaphore, #tpu.memory_space<semaphore_mem>>)
    %add3A_8 = arith.constant 2 : i32
    %add3A_9 = arith.addi %arg0, %add3A_8 : i32
    %mul3A_10 = arith.constant 262144 : i32
    %mul3A_11 = arith.muli %add3A_9, %mul3A_10 : i32
    %mul3A_12 = arith.constant 16384 : i32
    %mul3A_13 = arith.muli %arg1, %mul3A_12 : i32
    %add3A_14 = arith.addi %mul3A_11, %mul3A_13 : i32
    %dma_start3A_15 = tpu.memref_slice %arg3[%add3A_14] : memref<13107200xf32, #tpu.memory_space<hbm>> -> memref<16384xf32, #tpu.memory_space<hbm>>
    %dma_start3A_16 = tpu.memref_slice %arg3[%add3A_14] : memref<13107200xf32, #tpu.memory_space<hbm>> -> memref<16384xf32, #tpu.memory_space<hbm>>
    tpu.enqueue_dma source(%arg4 : memref<16384xf32, #tpu.memory_space<vmem>>) target(%dma_start3A_16 : memref<16384xf32, #tpu.memory_space<hbm>>) target_semaphore(%arg5 : memref<!tpu.dma_semaphore, #tpu.memory_space<semaphore_mem>>)
    %add3A_17 = arith.constant 4 : i32
    %add3A_18 = arith.addi %arg0, %add3A_17 : i32
    %mul3A_19 = arith.constant 262144 : i32
    %mul3A_20 = arith.muli %add3A_18, %mul3A_19 : i32
    %mul3A_21 = arith.constant 16384 : i32
    %mul3A_22 = arith.muli %arg1, %mul3A_21 : i32
    %add3A_23 = arith.addi %mul3A_20, %mul3A_22 : i32
    %dma_start3A_24 = tpu.memref_slice %arg3[%add3A_23] : memref<13107200xf32, #tpu.memory_space<hbm>> -> memref<16384xf32, #tpu.memory_space<hbm>>
    %dma_start3A_25 = tpu.memref_slice %arg3[%add3A_23] : memref<13107200xf32, #tpu.memory_space<hbm>> -> memref<16384xf32, #tpu.memory_space<hbm>>
    tpu.enqueue_dma source(%arg4 : memref<16384xf32, #tpu.memory_space<vmem>>) target(%dma_start3A_25 : memref<16384xf32, #tpu.memory_space<hbm>>) target_semaphore(%arg5 : memref<!tpu.dma_semaphore, #tpu.memory_space<semaphore_mem>>)
    %add3A_26 = arith.constant 6 : i32
    %add3A_27 = arith.addi %arg0, %add3A_26 : i32
    %mul3A_28 = arith.constant 262144 : i32
    %mul3A_29 = arith.muli %add3A_27, %mul3A_28 : i32
    %mul3A_30 = arith.constant 16384 : i32
    %mul3A_31 = arith.muli %arg1, %mul3A_30 : i32
    %add3A_32 = arith.addi %mul3A_29, %mul3A_31 : i32
    %dma_start3A_33 = tpu.memref_slice %arg3[%add3A_32] : memref<13107200xf32, #tpu.memory_space<hbm>> -> memref<16384xf32, #tpu.memory_space<hbm>>
    %dma_start3A_34 = tpu.memref_slice %arg3[%add3A_32] : memref<13107200xf32, #tpu.memory_space<hbm>> -> memref<16384xf32, #tpu.memory_space<hbm>>
    tpu.enqueue_dma source(%arg4 : memref<16384xf32, #tpu.memory_space<vmem>>) target(%dma_start3A_34 : memref<16384xf32, #tpu.memory_space<hbm>>) target_semaphore(%arg5 : memref<!tpu.dma_semaphore, #tpu.memory_space<semaphore_mem>>)
    %add3A_35 = arith.constant 8 : i32
    %add3A_36 = arith.addi %arg0, %add3A_35 : i32
    %mul3A_37 = arith.constant 262144 : i32
    %mul3A_38 = arith.muli %add3A_36, %mul3A_37 : i32
    %mul3A_39 = arith.constant 16384 : i32
    %mul3A_40 = arith.muli %arg1, %mul3A_39 : i32
    %add3A_41 = arith.addi %mul3A_38, %mul3A_40 : i32
    %dma_start3A_42 = tpu.memref_slice %arg3[%add3A_41] : memref<13107200xf32, #tpu.memory_space<hbm>> -> memref<16384xf32, #tpu.memory_space<hbm>>
    %dma_start3A_43 = tpu.memref_slice %arg3[%add3A_41] : memref<13107200xf32, #tpu.memory_space<hbm>> -> memref<16384xf32, #tpu.memory_space<hbm>>
    tpu.enqueue_dma source(%arg4 : memref<16384xf32, #tpu.memory_space<vmem>>) target(%dma_start3A_43 : memref<16384xf32, #tpu.memory_space<hbm>>) target_semaphore(%arg5 : memref<!tpu.dma_semaphore, #tpu.memory_space<semaphore_mem>>)
    %add3A_44 = arith.constant 10 : i32
    %add3A_45 = arith.addi %arg0, %add3A_44 : i32
    %mul3A_46 = arith.constant 262144 : i32
    %mul3A_47 = arith.muli %add3A_45, %mul3A_46 : i32
    %mul3A_48 = arith.constant 16384 : i32
    %mul3A_49 = arith.muli %arg1, %mul3A_48 : i32
    %add3A_50 = arith.addi %mul3A_47, %mul3A_49 : i32
    %dma_start3A_51 = tpu.memref_slice %arg3[%add3A_50] : memref<13107200xf32, #tpu.memory_space<hbm>> -> memref<16384xf32, #tpu.memory_space<hbm>>
    %dma_start3A_52 = tpu.memref_slice %arg3[%add3A_50] : memref<13107200xf32, #tpu.memory_space<hbm>> -> memref<16384xf32, #tpu.memory_space<hbm>>
    tpu.enqueue_dma source(%arg4 : memref<16384xf32, #tpu.memory_space<vmem>>) target(%dma_start3A_52 : memref<16384xf32, #tpu.memory_space<hbm>>) target_semaphore(%arg5 : memref<!tpu.dma_semaphore, #tpu.memory_space<semaphore_mem>>)
    %add3A_53 = arith.constant 12 : i32
    %add3A_54 = arith.addi %arg0, %add3A_53 : i32
    %mul3A_55 = arith.constant 262144 : i32
    %mul3A_56 = arith.muli %add3A_54, %mul3A_55 : i32
    %mul3A_57 = arith.constant 16384 : i32
    %mul3A_58 = arith.muli %arg1, %mul3A_57 : i32
    %add3A_59 = arith.addi %mul3A_56, %mul3A_58 : i32
    %dma_start3A_60 = tpu.memref_slice %arg3[%add3A_59] : memref<13107200xf32, #tpu.memory_space<hbm>> -> memref<16384xf32, #tpu.memory_space<hbm>>
    %dma_start3A_61 = tpu.memref_slice %arg3[%add3A_59] : memref<13107200xf32, #tpu.memory_space<hbm>> -> memref<16384xf32, #tpu.memory_space<hbm>>
    tpu.enqueue_dma source(%arg4 : memref<16384xf32, #tpu.memory_space<vmem>>) target(%dma_start3A_61 : memref<16384xf32, #tpu.memory_space<hbm>>) target_semaphore(%arg5 : memref<!tpu.dma_semaphore, #tpu.memory_space<semaphore_mem>>)
    %add3A_62 = arith.constant 14 : i32
    %add3A_63 = arith.addi %arg0, %add3A_62 : i32
    %mul3A_64 = arith.constant 262144 : i32
    %mul3A_65 = arith.muli %add3A_63, %mul3A_64 : i32
    %mul3A_66 = arith.constant 16384 : i32
    %mul3A_67 = arith.muli %arg1, %mul3A_66 : i32
    %add3A_68 = arith.addi %mul3A_65, %mul3A_67 : i32
    %dma_start3A_69 = tpu.memref_slice %arg3[%add3A_68] : memref<13107200xf32, #tpu.memory_space<hbm>> -> memref<16384xf32, #tpu.memory_space<hbm>>
    %dma_start3A_70 = tpu.memref_slice %arg3[%add3A_68] : memref<13107200xf32, #tpu.memory_space<hbm>> -> memref<16384xf32, #tpu.memory_space<hbm>>
    tpu.enqueue_dma source(%arg4 : memref<16384xf32, #tpu.memory_space<vmem>>) target(%dma_start3A_70 : memref<16384xf32, #tpu.memory_space<hbm>>) target_semaphore(%arg5 : memref<!tpu.dma_semaphore, #tpu.memory_space<semaphore_mem>>)
    %add3A_71 = arith.constant 16 : i32
    %add3A_72 = arith.addi %arg0, %add3A_71 : i32
    %mul3A_73 = arith.constant 262144 : i32
    %mul3A_74 = arith.muli %add3A_72, %mul3A_73 : i32
    %mul3A_75 = arith.constant 16384 : i32
    %mul3A_76 = arith.muli %arg1, %mul3A_75 : i32
    %add3A_77 = arith.addi %mul3A_74, %mul3A_76 : i32
    %dma_start3A_78 = tpu.memref_slice %arg3[%add3A_77] : memref<13107200xf32, #tpu.memory_space<hbm>> -> memref<16384xf32, #tpu.memory_space<hbm>>
    %dma_start3A_79 = tpu.memref_slice %arg3[%add3A_77] : memref<13107200xf32, #tpu.memory_space<hbm>> -> memref<16384xf32, #tpu.memory_space<hbm>>
    tpu.enqueue_dma source(%arg4 : memref<16384xf32, #tpu.memory_space<vmem>>) target(%dma_start3A_79 : memref<16384xf32, #tpu.memory_space<hbm>>) target_semaphore(%arg5 : memref<!tpu.dma_semaphore, #tpu.memory_space<semaphore_mem>>)
    %add3A_80 = arith.constant 18 : i32
    %add3A_81 = arith.addi %arg0, %add3A_80 : i32
    %mul3A_82 = arith.constant 262144 : i32
    %mul3A_83 = arith.muli %add3A_81, %mul3A_82 : i32
    %mul3A_84 = arith.constant 16384 : i32
    %mul3A_85 = arith.muli %arg1, %mul3A_84 : i32
    %add3A_86 = arith.addi %mul3A_83, %mul3A_85 : i32
    %dma_start3A_87 = tpu.memref_slice %arg3[%add3A_86] : memref<13107200xf32, #tpu.memory_space<hbm>> -> memref<16384xf32, #tpu.memory_space<hbm>>
    %dma_start3A_88 = tpu.memref_slice %arg3[%add3A_86] : memref<13107200xf32, #tpu.memory_space<hbm>> -> memref<16384xf32, #tpu.memory_space<hbm>>
    tpu.enqueue_dma source(%arg4 : memref<16384xf32, #tpu.memory_space<vmem>>) target(%dma_start3A_88 : memref<16384xf32, #tpu.memory_space<hbm>>) target_semaphore(%arg5 : memref<!tpu.dma_semaphore, #tpu.memory_space<semaphore_mem>>)
    %add3A_89 = arith.constant 20 : i32
    %add3A_90 = arith.addi %arg0, %add3A_89 : i32
    %mul3A_91 = arith.constant 262144 : i32
    %mul3A_92 = arith.muli %add3A_90, %mul3A_91 : i32
    %mul3A_93 = arith.constant 16384 : i32
    %mul3A_94 = arith.muli %arg1, %mul3A_93 : i32
    %add3A_95 = arith.addi %mul3A_92, %mul3A_94 : i32
    %dma_start3A_96 = tpu.memref_slice %arg3[%add3A_95] : memref<13107200xf32, #tpu.memory_space<hbm>> -> memref<16384xf32, #tpu.memory_space<hbm>>
    %dma_start3A_97 = tpu.memref_slice %arg3[%add3A_95] : memref<13107200xf32, #tpu.memory_space<hbm>> -> memref<16384xf32, #tpu.memory_space<hbm>>
    tpu.enqueue_dma source(%arg4 : memref<16384xf32, #tpu.memory_space<vmem>>) target(%dma_start3A_97 : memref<16384xf32, #tpu.memory_space<hbm>>) target_semaphore(%arg5 : memref<!tpu.dma_semaphore, #tpu.memory_space<semaphore_mem>>)
    %add3A_98 = arith.constant 22 : i32
    %add3A_99 = arith.addi %arg0, %add3A_98 : i32
    %mul3A_100 = arith.constant 262144 : i32
    %mul3A_101 = arith.muli %add3A_99, %mul3A_100 : i32
    %mul3A_102 = arith.constant 16384 : i32
    %mul3A_103 = arith.muli %arg1, %mul3A_102 : i32
    %add3A_104 = arith.addi %mul3A_101, %mul3A_103 : i32
    %dma_start3A_105 = tpu.memref_slice %arg3[%add3A_104] : memref<13107200xf32, #tpu.memory_space<hbm>> -> memref<16384xf32, #tpu.memory_space<hbm>>
    %dma_start3A_106 = tpu.memref_slice %arg3[%add3A_104] : memref<13107200xf32, #tpu.memory_space<hbm>> -> memref<16384xf32, #tpu.memory_space<hbm>>
    tpu.enqueue_dma source(%arg4 : memref<16384xf32, #tpu.memory_space<vmem>>) target(%dma_start3A_106 : memref<16384xf32, #tpu.memory_space<hbm>>) target_semaphore(%arg5 : memref<!tpu.dma_semaphore, #tpu.memory_space<semaphore_mem>>)
    %add3A_107 = arith.constant 24 : i32
    %add3A_108 = arith.addi %arg0, %add3A_107 : i32
    %mul3A_109 = arith.constant 262144 : i32
    %mul3A_110 = arith.muli %add3A_108, %mul3A_109 : i32
    %mul3A_111 = arith.constant 16384 : i32
    %mul3A_112 = arith.muli %arg1, %mul3A_111 : i32
    %add3A_113 = arith.addi %mul3A_110, %mul3A_112 : i32
    %dma_start3A_114 = tpu.memref_slice %arg3[%add3A_113] : memref<13107200xf32, #tpu.memory_space<hbm>> -> memref<16384xf32, #tpu.memory_space<hbm>>
    %dma_start3A_115 = tpu.memref_slice %arg3[%add3A_113] : memref<13107200xf32, #tpu.memory_space<hbm>> -> memref<16384xf32, #tpu.memory_space<hbm>>
    tpu.enqueue_dma source(%arg4 : memref<16384xf32, #tpu.memory_space<vmem>>) target(%dma_start3A_115 : memref<16384xf32, #tpu.memory_space<hbm>>) target_semaphore(%arg5 : memref<!tpu.dma_semaphore, #tpu.memory_space<semaphore_mem>>)
    %add3A_116 = arith.constant 26 : i32
    %add3A_117 = arith.addi %arg0, %add3A_116 : i32
    %mul3A_118 = arith.constant 262144 : i32
    %mul3A_119 = arith.muli %add3A_117, %mul3A_118 : i32
    %mul3A_120 = arith.constant 16384 : i32
    %mul3A_121 = arith.muli %arg1, %mul3A_120 : i32
    %add3A_122 = arith.addi %mul3A_119, %mul3A_121 : i32
    %dma_start3A_123 = tpu.memref_slice %arg3[%add3A_122] : memref<13107200xf32, #tpu.memory_space<hbm>> -> memref<16384xf32, #tpu.memory_space<hbm>>
    %dma_start3A_124 = tpu.memref_slice %arg3[%add3A_122] : memref<13107200xf32, #tpu.memory_space<hbm>> -> memref<16384xf32, #tpu.memory_space<hbm>>
    tpu.enqueue_dma source(%arg4 : memref<16384xf32, #tpu.memory_space<vmem>>) target(%dma_start3A_124 : memref<16384xf32, #tpu.memory_space<hbm>>) target_semaphore(%arg5 : memref<!tpu.dma_semaphore, #tpu.memory_space<semaphore_mem>>)
    %add3A_125 = arith.constant 28 : i32
    %add3A_126 = arith.addi %arg0, %add3A_125 : i32
    %mul3A_127 = arith.constant 262144 : i32
    %mul3A_128 = arith.muli %add3A_126, %mul3A_127 : i32
    %mul3A_129 = arith.constant 16384 : i32
    %mul3A_130 = arith.muli %arg1, %mul3A_129 : i32
    %add3A_131 = arith.addi %mul3A_128, %mul3A_130 : i32
    %dma_start3A_132 = tpu.memref_slice %arg3[%add3A_131] : memref<13107200xf32, #tpu.memory_space<hbm>> -> memref<16384xf32, #tpu.memory_space<hbm>>
    %dma_start3A_133 = tpu.memref_slice %arg3[%add3A_131] : memref<13107200xf32, #tpu.memory_space<hbm>> -> memref<16384xf32, #tpu.memory_space<hbm>>
    tpu.enqueue_dma source(%arg4 : memref<16384xf32, #tpu.memory_space<vmem>>) target(%dma_start3A_133 : memref<16384xf32, #tpu.memory_space<hbm>>) target_semaphore(%arg5 : memref<!tpu.dma_semaphore, #tpu.memory_space<semaphore_mem>>)
    %add3A_134 = arith.constant 30 : i32
    %add3A_135 = arith.addi %arg0, %add3A_134 : i32
    %mul3A_136 = arith.constant 262144 : i32
    %mul3A_137 = arith.muli %add3A_135, %mul3A_136 : i32
    %mul3A_138 = arith.constant 16384 : i32
    %mul3A_139 = arith.muli %arg1, %mul3A_138 : i32
    %add3A_140 = arith.addi %mul3A_137, %mul3A_139 : i32
    %dma_start3A_141 = tpu.memref_slice %arg3[%add3A_140] : memref<13107200xf32, #tpu.memory_space<hbm>> -> memref<16384xf32, #tpu.memory_space<hbm>>
    %dma_start3A_142 = tpu.memref_slice %arg3[%add3A_140] : memref<13107200xf32, #tpu.memory_space<hbm>> -> memref<16384xf32, #tpu.memory_space<hbm>>
    tpu.enqueue_dma source(%arg4 : memref<16384xf32, #tpu.memory_space<vmem>>) target(%dma_start3A_142 : memref<16384xf32, #tpu.memory_space<hbm>>) target_semaphore(%arg5 : memref<!tpu.dma_semaphore, #tpu.memory_space<semaphore_mem>>)
    %add3A_143 = arith.constant 32 : i32
    %add3A_144 = arith.addi %arg0, %add3A_143 : i32
    %mul3A_145 = arith.constant 262144 : i32
    %mul3A_146 = arith.muli %add3A_144, %mul3A_145 : i32
    %mul3A_147 = arith.constant 16384 : i32
    %mul3A_148 = arith.muli %arg1, %mul3A_147 : i32
    %add3A_149 = arith.addi %mul3A_146, %mul3A_148 : i32
    %dma_start3A_150 = tpu.memref_slice %arg3[%add3A_149] : memref<13107200xf32, #tpu.memory_space<hbm>> -> memref<16384xf32, #tpu.memory_space<hbm>>
    %dma_start3A_151 = tpu.memref_slice %arg3[%add3A_149] : memref<13107200xf32, #tpu.memory_space<hbm>> -> memref<16384xf32, #tpu.memory_space<hbm>>
    tpu.enqueue_dma source(%arg4 : memref<16384xf32, #tpu.memory_space<vmem>>) target(%dma_start3A_151 : memref<16384xf32, #tpu.memory_space<hbm>>) target_semaphore(%arg5 : memref<!tpu.dma_semaphore, #tpu.memory_space<semaphore_mem>>)
    %add3A_152 = arith.constant 34 : i32
    %add3A_153 = arith.addi %arg0, %add3A_152 : i32
    %mul3A_154 = arith.constant 262144 : i32
    %mul3A_155 = arith.muli %add3A_153, %mul3A_154 : i32
    %mul3A_156 = arith.constant 16384 : i32
    %mul3A_157 = arith.muli %arg1, %mul3A_156 : i32
    %add3A_158 = arith.addi %mul3A_155, %mul3A_157 : i32
    %dma_start3A_159 = tpu.memref_slice %arg3[%add3A_158] : memref<13107200xf32, #tpu.memory_space<hbm>> -> memref<16384xf32, #tpu.memory_space<hbm>>
    %dma_start3A_160 = tpu.memref_slice %arg3[%add3A_158] : memref<13107200xf32, #tpu.memory_space<hbm>> -> memref<16384xf32, #tpu.memory_space<hbm>>
    tpu.enqueue_dma source(%arg4 : memref<16384xf32, #tpu.memory_space<vmem>>) target(%dma_start3A_160 : memref<16384xf32, #tpu.memory_space<hbm>>) target_semaphore(%arg5 : memref<!tpu.dma_semaphore, #tpu.memory_space<semaphore_mem>>)
    %add3A_161 = arith.constant 36 : i32
    %add3A_162 = arith.addi %arg0, %add3A_161 : i32
    %mul3A_163 = arith.constant 262144 : i32
    %mul3A_164 = arith.muli %add3A_162, %mul3A_163 : i32
    %mul3A_165 = arith.constant 16384 : i32
    %mul3A_166 = arith.muli %arg1, %mul3A_165 : i32
    %add3A_167 = arith.addi %mul3A_164, %mul3A_166 : i32
    %dma_start3A_168 = tpu.memref_slice %arg3[%add3A_167] : memref<13107200xf32, #tpu.memory_space<hbm>> -> memref<16384xf32, #tpu.memory_space<hbm>>
    %dma_start3A_169 = tpu.memref_slice %arg3[%add3A_167] : memref<13107200xf32, #tpu.memory_space<hbm>> -> memref<16384xf32, #tpu.memory_space<hbm>>
    tpu.enqueue_dma source(%arg4 : memref<16384xf32, #tpu.memory_space<vmem>>) target(%dma_start3A_169 : memref<16384xf32, #tpu.memory_space<hbm>>) target_semaphore(%arg5 : memref<!tpu.dma_semaphore, #tpu.memory_space<semaphore_mem>>)
    %add3A_170 = arith.constant 38 : i32
    %add3A_171 = arith.addi %arg0, %add3A_170 : i32
    %mul3A_172 = arith.constant 262144 : i32
    %mul3A_173 = arith.muli %add3A_171, %mul3A_172 : i32
    %mul3A_174 = arith.constant 16384 : i32
    %mul3A_175 = arith.muli %arg1, %mul3A_174 : i32
    %add3A_176 = arith.addi %mul3A_173, %mul3A_175 : i32
    %dma_start3A_177 = tpu.memref_slice %arg3[%add3A_176] : memref<13107200xf32, #tpu.memory_space<hbm>> -> memref<16384xf32, #tpu.memory_space<hbm>>
    %dma_start3A_178 = tpu.memref_slice %arg3[%add3A_176] : memref<13107200xf32, #tpu.memory_space<hbm>> -> memref<16384xf32, #tpu.memory_space<hbm>>
    tpu.enqueue_dma source(%arg4 : memref<16384xf32, #tpu.memory_space<vmem>>) target(%dma_start3A_178 : memref<16384xf32, #tpu.memory_space<hbm>>) target_semaphore(%arg5 : memref<!tpu.dma_semaphore, #tpu.memory_space<semaphore_mem>>)
    %add3A_179 = arith.constant 40 : i32
    %add3A_180 = arith.addi %arg0, %add3A_179 : i32
    %mul3A_181 = arith.constant 262144 : i32
    %mul3A_182 = arith.muli %add3A_180, %mul3A_181 : i32
    %mul3A_183 = arith.constant 16384 : i32
    %mul3A_184 = arith.muli %arg1, %mul3A_183 : i32
    %add3A_185 = arith.addi %mul3A_182, %mul3A_184 : i32
    %dma_start3A_186 = tpu.memref_slice %arg3[%add3A_185] : memref<13107200xf32, #tpu.memory_space<hbm>> -> memref<16384xf32, #tpu.memory_space<hbm>>
    %dma_start3A_187 = tpu.memref_slice %arg3[%add3A_185] : memref<13107200xf32, #tpu.memory_space<hbm>> -> memref<16384xf32, #tpu.memory_space<hbm>>
    tpu.enqueue_dma source(%arg4 : memref<16384xf32, #tpu.memory_space<vmem>>) target(%dma_start3A_187 : memref<16384xf32, #tpu.memory_space<hbm>>) target_semaphore(%arg5 : memref<!tpu.dma_semaphore, #tpu.memory_space<semaphore_mem>>)
    %add3A_188 = arith.constant 42 : i32
    %add3A_189 = arith.addi %arg0, %add3A_188 : i32
    %mul3A_190 = arith.constant 262144 : i32
    %mul3A_191 = arith.muli %add3A_189, %mul3A_190 : i32
    %mul3A_192 = arith.constant 16384 : i32
    %mul3A_193 = arith.muli %arg1, %mul3A_192 : i32
    %add3A_194 = arith.addi %mul3A_191, %mul3A_193 : i32
    %dma_start3A_195 = tpu.memref_slice %arg3[%add3A_194] : memref<13107200xf32, #tpu.memory_space<hbm>> -> memref<16384xf32, #tpu.memory_space<hbm>>
    %dma_start3A_196 = tpu.memref_slice %arg3[%add3A_194] : memref<13107200xf32, #tpu.memory_space<hbm>> -> memref<16384xf32, #tpu.memory_space<hbm>>
    tpu.enqueue_dma source(%arg4 : memref<16384xf32, #tpu.memory_space<vmem>>) target(%dma_start3A_196 : memref<16384xf32, #tpu.memory_space<hbm>>) target_semaphore(%arg5 : memref<!tpu.dma_semaphore, #tpu.memory_space<semaphore_mem>>)
    %add3A_197 = arith.constant 44 : i32
    %add3A_198 = arith.addi %arg0, %add3A_197 : i32
    %mul3A_199 = arith.constant 262144 : i32
    %mul3A_200 = arith.muli %add3A_198, %mul3A_199 : i32
    %mul3A_201 = arith.constant 16384 : i32
    %mul3A_202 = arith.muli %arg1, %mul3A_201 : i32
    %add3A_203 = arith.addi %mul3A_200, %mul3A_202 : i32
    %dma_start3A_204 = tpu.memref_slice %arg3[%add3A_203] : memref<13107200xf32, #tpu.memory_space<hbm>> -> memref<16384xf32, #tpu.memory_space<hbm>>
    %dma_start3A_205 = tpu.memref_slice %arg3[%add3A_203] : memref<13107200xf32, #tpu.memory_space<hbm>> -> memref<16384xf32, #tpu.memory_space<hbm>>
    tpu.enqueue_dma source(%arg4 : memref<16384xf32, #tpu.memory_space<vmem>>) target(%dma_start3A_205 : memref<16384xf32, #tpu.memory_space<hbm>>) target_semaphore(%arg5 : memref<!tpu.dma_semaphore, #tpu.memory_space<semaphore_mem>>)
    %add3A_206 = arith.constant 46 : i32
    %add3A_207 = arith.addi %arg0, %add3A_206 : i32
    %mul3A_208 = arith.constant 262144 : i32
    %mul3A_209 = arith.muli %add3A_207, %mul3A_208 : i32
    %mul3A_210 = arith.constant 16384 : i32
    %mul3A_211 = arith.muli %arg1, %mul3A_210 : i32
    %add3A_212 = arith.addi %mul3A_209, %mul3A_211 : i32
    %dma_start3A_213 = tpu.memref_slice %arg3[%add3A_212] : memref<13107200xf32, #tpu.memory_space<hbm>> -> memref<16384xf32, #tpu.memory_space<hbm>>
    %dma_start3A_214 = tpu.memref_slice %arg3[%add3A_212] : memref<13107200xf32, #tpu.memory_space<hbm>> -> memref<16384xf32, #tpu.memory_space<hbm>>
    tpu.enqueue_dma source(%arg4 : memref<16384xf32, #tpu.memory_space<vmem>>) target(%dma_start3A_214 : memref<16384xf32, #tpu.memory_space<hbm>>) target_semaphore(%arg5 : memref<!tpu.dma_semaphore, #tpu.memory_space<semaphore_mem>>)
    %add3A_215 = arith.constant 48 : i32
    %add3A_216 = arith.addi %arg0, %add3A_215 : i32
    %mul3A_217 = arith.constant 262144 : i32
    %mul3A_218 = arith.muli %add3A_216, %mul3A_217 : i32
    %mul3A_219 = arith.constant 16384 : i32
    %mul3A_220 = arith.muli %arg1, %mul3A_219 : i32
    %add3A_221 = arith.addi %mul3A_218, %mul3A_220 : i32
    %dma_start3A_222 = tpu.memref_slice %arg3[%add3A_221] : memref<13107200xf32, #tpu.memory_space<hbm>> -> memref<16384xf32, #tpu.memory_space<hbm>>
    %dma_start3A_223 = tpu.memref_slice %arg3[%add3A_221] : memref<13107200xf32, #tpu.memory_space<hbm>> -> memref<16384xf32, #tpu.memory_space<hbm>>
    tpu.enqueue_dma source(%arg4 : memref<16384xf32, #tpu.memory_space<vmem>>) target(%dma_start3A_223 : memref<16384xf32, #tpu.memory_space<hbm>>) target_semaphore(%arg5 : memref<!tpu.dma_semaphore, #tpu.memory_space<semaphore_mem>>)
    %dma_wait3A = tpu.memref_slice %arg3[%add3A_6] : memref<13107200xf32, #tpu.memory_space<hbm>> -> memref<16384xf32, #tpu.memory_space<hbm>>
    %dma_wait3A_224 = tpu.memref_slice %arg3[%add3A_6] : memref<13107200xf32, #tpu.memory_space<hbm>> -> memref<16384xf32, #tpu.memory_space<hbm>>
    tpu.wait_dma2 semaphore(%arg5 : memref<!tpu.dma_semaphore, #tpu.memory_space<semaphore_mem>>) src(%arg4 : memref<16384xf32, #tpu.memory_space<vmem>>) dst(%dma_wait3A_224 : memref<16384xf32, #tpu.memory_space<hbm>>)
    %dma_wait3A_225 = tpu.memref_slice %arg3[%add3A_14] : memref<13107200xf32, #tpu.memory_space<hbm>> -> memref<16384xf32, #tpu.memory_space<hbm>>
    %dma_wait3A_226 = tpu.memref_slice %arg3[%add3A_14] : memref<13107200xf32, #tpu.memory_space<hbm>> -> memref<16384xf32, #tpu.memory_space<hbm>>
    tpu.wait_dma2 semaphore(%arg5 : memref<!tpu.dma_semaphore, #tpu.memory_space<semaphore_mem>>) src(%arg4 : memref<16384xf32, #tpu.memory_space<vmem>>) dst(%dma_wait3A_226 : memref<16384xf32, #tpu.memory_space<hbm>>)
    %dma_wait3A_227 = tpu.memref_slice %arg3[%add3A_23] : memref<13107200xf32, #tpu.memory_space<hbm>> -> memref<16384xf32, #tpu.memory_space<hbm>>
    %dma_wait3A_228 = tpu.memref_slice %arg3[%add3A_23] : memref<13107200xf32, #tpu.memory_space<hbm>> -> memref<16384xf32, #tpu.memory_space<hbm>>
    tpu.wait_dma2 semaphore(%arg5 : memref<!tpu.dma_semaphore, #tpu.memory_space<semaphore_mem>>) src(%arg4 : memref<16384xf32, #tpu.memory_space<vmem>>) dst(%dma_wait3A_228 : memref<16384xf32, #tpu.memory_space<hbm>>)
    %dma_wait3A_229 = tpu.memref_slice %arg3[%add3A_32] : memref<13107200xf32, #tpu.memory_space<hbm>> -> memref<16384xf32, #tpu.memory_space<hbm>>
    %dma_wait3A_230 = tpu.memref_slice %arg3[%add3A_32] : memref<13107200xf32, #tpu.memory_space<hbm>> -> memref<16384xf32, #tpu.memory_space<hbm>>
    tpu.wait_dma2 semaphore(%arg5 : memref<!tpu.dma_semaphore, #tpu.memory_space<semaphore_mem>>) src(%arg4 : memref<16384xf32, #tpu.memory_space<vmem>>) dst(%dma_wait3A_230 : memref<16384xf32, #tpu.memory_space<hbm>>)
    %dma_wait3A_231 = tpu.memref_slice %arg3[%add3A_41] : memref<13107200xf32, #tpu.memory_space<hbm>> -> memref<16384xf32, #tpu.memory_space<hbm>>
    %dma_wait3A_232 = tpu.memref_slice %arg3[%add3A_41] : memref<13107200xf32, #tpu.memory_space<hbm>> -> memref<16384xf32, #tpu.memory_space<hbm>>
    tpu.wait_dma2 semaphore(%arg5 : memref<!tpu.dma_semaphore, #tpu.memory_space<semaphore_mem>>) src(%arg4 : memref<16384xf32, #tpu.memory_space<vmem>>) dst(%dma_wait3A_232 : memref<16384xf32, #tpu.memory_space<hbm>>)
    %dma_wait3A_233 = tpu.memref_slice %arg3[%add3A_50] : memref<13107200xf32, #tpu.memory_space<hbm>> -> memref<16384xf32, #tpu.memory_space<hbm>>
    %dma_wait3A_234 = tpu.memref_slice %arg3[%add3A_50] : memref<13107200xf32, #tpu.memory_space<hbm>> -> memref<16384xf32, #tpu.memory_space<hbm>>
    tpu.wait_dma2 semaphore(%arg5 : memref<!tpu.dma_semaphore, #tpu.memory_space<semaphore_mem>>) src(%arg4 : memref<16384xf32, #tpu.memory_space<vmem>>) dst(%dma_wait3A_234 : memref<16384xf32, #tpu.memory_space<hbm>>)
    %dma_wait3A_235 = tpu.memref_slice %arg3[%add3A_59] : memref<13107200xf32, #tpu.memory_space<hbm>> -> memref<16384xf32, #tpu.memory_space<hbm>>
    %dma_wait3A_236 = tpu.memref_slice %arg3[%add3A_59] : memref<13107200xf32, #tpu.memory_space<hbm>> -> memref<16384xf32, #tpu.memory_space<hbm>>
    tpu.wait_dma2 semaphore(%arg5 : memref<!tpu.dma_semaphore, #tpu.memory_space<semaphore_mem>>) src(%arg4 : memref<16384xf32, #tpu.memory_space<vmem>>) dst(%dma_wait3A_236 : memref<16384xf32, #tpu.memory_space<hbm>>)
    %dma_wait3A_237 = tpu.memref_slice %arg3[%add3A_68] : memref<13107200xf32, #tpu.memory_space<hbm>> -> memref<16384xf32, #tpu.memory_space<hbm>>
    %dma_wait3A_238 = tpu.memref_slice %arg3[%add3A_68] : memref<13107200xf32, #tpu.memory_space<hbm>> -> memref<16384xf32, #tpu.memory_space<hbm>>
    tpu.wait_dma2 semaphore(%arg5 : memref<!tpu.dma_semaphore, #tpu.memory_space<semaphore_mem>>) src(%arg4 : memref<16384xf32, #tpu.memory_space<vmem>>) dst(%dma_wait3A_238 : memref<16384xf32, #tpu.memory_space<hbm>>)
    %dma_wait3A_239 = tpu.memref_slice %arg3[%add3A_77] : memref<13107200xf32, #tpu.memory_space<hbm>> -> memref<16384xf32, #tpu.memory_space<hbm>>
    %dma_wait3A_240 = tpu.memref_slice %arg3[%add3A_77] : memref<13107200xf32, #tpu.memory_space<hbm>> -> memref<16384xf32, #tpu.memory_space<hbm>>
    tpu.wait_dma2 semaphore(%arg5 : memref<!tpu.dma_semaphore, #tpu.memory_space<semaphore_mem>>) src(%arg4 : memref<16384xf32, #tpu.memory_space<vmem>>) dst(%dma_wait3A_240 : memref<16384xf32, #tpu.memory_space<hbm>>)
    %dma_wait3A_241 = tpu.memref_slice %arg3[%add3A_86] : memref<13107200xf32, #tpu.memory_space<hbm>> -> memref<16384xf32, #tpu.memory_space<hbm>>
    %dma_wait3A_242 = tpu.memref_slice %arg3[%add3A_86] : memref<13107200xf32, #tpu.memory_space<hbm>> -> memref<16384xf32, #tpu.memory_space<hbm>>
    tpu.wait_dma2 semaphore(%arg5 : memref<!tpu.dma_semaphore, #tpu.memory_space<semaphore_mem>>) src(%arg4 : memref<16384xf32, #tpu.memory_space<vmem>>) dst(%dma_wait3A_242 : memref<16384xf32, #tpu.memory_space<hbm>>)
    %dma_wait3A_243 = tpu.memref_slice %arg3[%add3A_95] : memref<13107200xf32, #tpu.memory_space<hbm>> -> memref<16384xf32, #tpu.memory_space<hbm>>
    %dma_wait3A_244 = tpu.memref_slice %arg3[%add3A_95] : memref<13107200xf32, #tpu.memory_space<hbm>> -> memref<16384xf32, #tpu.memory_space<hbm>>
    tpu.wait_dma2 semaphore(%arg5 : memref<!tpu.dma_semaphore, #tpu.memory_space<semaphore_mem>>) src(%arg4 : memref<16384xf32, #tpu.memory_space<vmem>>) dst(%dma_wait3A_244 : memref<16384xf32, #tpu.memory_space<hbm>>)
    %dma_wait3A_245 = tpu.memref_slice %arg3[%add3A_104] : memref<13107200xf32, #tpu.memory_space<hbm>> -> memref<16384xf32, #tpu.memory_space<hbm>>
    %dma_wait3A_246 = tpu.memref_slice %arg3[%add3A_104] : memref<13107200xf32, #tpu.memory_space<hbm>> -> memref<16384xf32, #tpu.memory_space<hbm>>
    tpu.wait_dma2 semaphore(%arg5 : memref<!tpu.dma_semaphore, #tpu.memory_space<semaphore_mem>>) src(%arg4 : memref<16384xf32, #tpu.memory_space<vmem>>) dst(%dma_wait3A_246 : memref<16384xf32, #tpu.memory_space<hbm>>)
    %dma_wait3A_247 = tpu.memref_slice %arg3[%add3A_113] : memref<13107200xf32, #tpu.memory_space<hbm>> -> memref<16384xf32, #tpu.memory_space<hbm>>
    %dma_wait3A_248 = tpu.memref_slice %arg3[%add3A_113] : memref<13107200xf32, #tpu.memory_space<hbm>> -> memref<16384xf32, #tpu.memory_space<hbm>>
    tpu.wait_dma2 semaphore(%arg5 : memref<!tpu.dma_semaphore, #tpu.memory_space<semaphore_mem>>) src(%arg4 : memref<16384xf32, #tpu.memory_space<vmem>>) dst(%dma_wait3A_248 : memref<16384xf32, #tpu.memory_space<hbm>>)
    %dma_wait3A_249 = tpu.memref_slice %arg3[%add3A_122] : memref<13107200xf32, #tpu.memory_space<hbm>> -> memref<16384xf32, #tpu.memory_space<hbm>>
    %dma_wait3A_250 = tpu.memref_slice %arg3[%add3A_122] : memref<13107200xf32, #tpu.memory_space<hbm>> -> memref<16384xf32, #tpu.memory_space<hbm>>
    tpu.wait_dma2 semaphore(%arg5 : memref<!tpu.dma_semaphore, #tpu.memory_space<semaphore_mem>>) src(%arg4 : memref<16384xf32, #tpu.memory_space<vmem>>) dst(%dma_wait3A_250 : memref<16384xf32, #tpu.memory_space<hbm>>)
    %dma_wait3A_251 = tpu.memref_slice %arg3[%add3A_131] : memref<13107200xf32, #tpu.memory_space<hbm>> -> memref<16384xf32, #tpu.memory_space<hbm>>
    %dma_wait3A_252 = tpu.memref_slice %arg3[%add3A_131] : memref<13107200xf32, #tpu.memory_space<hbm>> -> memref<16384xf32, #tpu.memory_space<hbm>>
    tpu.wait_dma2 semaphore(%arg5 : memref<!tpu.dma_semaphore, #tpu.memory_space<semaphore_mem>>) src(%arg4 : memref<16384xf32, #tpu.memory_space<vmem>>) dst(%dma_wait3A_252 : memref<16384xf32, #tpu.memory_space<hbm>>)
    %dma_wait3A_253 = tpu.memref_slice %arg3[%add3A_140] : memref<13107200xf32, #tpu.memory_space<hbm>> -> memref<16384xf32, #tpu.memory_space<hbm>>
    %dma_wait3A_254 = tpu.memref_slice %arg3[%add3A_140] : memref<13107200xf32, #tpu.memory_space<hbm>> -> memref<16384xf32, #tpu.memory_space<hbm>>
    tpu.wait_dma2 semaphore(%arg5 : memref<!tpu.dma_semaphore, #tpu.memory_space<semaphore_mem>>) src(%arg4 : memref<16384xf32, #tpu.memory_space<vmem>>) dst(%dma_wait3A_254 : memref<16384xf32, #tpu.memory_space<hbm>>)
    %dma_wait3A_255 = tpu.memref_slice %arg3[%add3A_149] : memref<13107200xf32, #tpu.memory_space<hbm>> -> memref<16384xf32, #tpu.memory_space<hbm>>
    %dma_wait3A_256 = tpu.memref_slice %arg3[%add3A_149] : memref<13107200xf32, #tpu.memory_space<hbm>> -> memref<16384xf32, #tpu.memory_space<hbm>>
    tpu.wait_dma2 semaphore(%arg5 : memref<!tpu.dma_semaphore, #tpu.memory_space<semaphore_mem>>) src(%arg4 : memref<16384xf32, #tpu.memory_space<vmem>>) dst(%dma_wait3A_256 : memref<16384xf32, #tpu.memory_space<hbm>>)
    %dma_wait3A_257 = tpu.memref_slice %arg3[%add3A_158] : memref<13107200xf32, #tpu.memory_space<hbm>> -> memref<16384xf32, #tpu.memory_space<hbm>>
    %dma_wait3A_258 = tpu.memref_slice %arg3[%add3A_158] : memref<13107200xf32, #tpu.memory_space<hbm>> -> memref<16384xf32, #tpu.memory_space<hbm>>
    tpu.wait_dma2 semaphore(%arg5 : memref<!tpu.dma_semaphore, #tpu.memory_space<semaphore_mem>>) src(%arg4 : memref<16384xf32, #tpu.memory_space<vmem>>) dst(%dma_wait3A_258 : memref<16384xf32, #tpu.memory_space<hbm>>)
    %dma_wait3A_259 = tpu.memref_slice %arg3[%add3A_167] : memref<13107200xf32, #tpu.memory_space<hbm>> -> memref<16384xf32, #tpu.memory_space<hbm>>
    %dma_wait3A_260 = tpu.memref_slice %arg3[%add3A_167] : memref<13107200xf32, #tpu.memory_space<hbm>> -> memref<16384xf32, #tpu.memory_space<hbm>>
    tpu.wait_dma2 semaphore(%arg5 : memref<!tpu.dma_semaphore, #tpu.memory_space<semaphore_mem>>) src(%arg4 : memref<16384xf32, #tpu.memory_space<vmem>>) dst(%dma_wait3A_260 : memref<16384xf32, #tpu.memory_space<hbm>>)
    %dma_wait3A_261 = tpu.memref_slice %arg3[%add3A_176] : memref<13107200xf32, #tpu.memory_space<hbm>> -> memref<16384xf32, #tpu.memory_space<hbm>>
    %dma_wait3A_262 = tpu.memref_slice %arg3[%add3A_176] : memref<13107200xf32, #tpu.memory_space<hbm>> -> memref<16384xf32, #tpu.memory_space<hbm>>
    tpu.wait_dma2 semaphore(%arg5 : memref<!tpu.dma_semaphore, #tpu.memory_space<semaphore_mem>>) src(%arg4 : memref<16384xf32, #tpu.memory_space<vmem>>) dst(%dma_wait3A_262 : memref<16384xf32, #tpu.memory_space<hbm>>)
    %dma_wait3A_263 = tpu.memref_slice %arg3[%add3A_185] : memref<13107200xf32, #tpu.memory_space<hbm>> -> memref<16384xf32, #tpu.memory_space<hbm>>
    %dma_wait3A_264 = tpu.memref_slice %arg3[%add3A_185] : memref<13107200xf32, #tpu.memory_space<hbm>> -> memref<16384xf32, #tpu.memory_space<hbm>>
    tpu.wait_dma2 semaphore(%arg5 : memref<!tpu.dma_semaphore, #tpu.memory_space<semaphore_mem>>) src(%arg4 : memref<16384xf32, #tpu.memory_space<vmem>>) dst(%dma_wait3A_264 : memref<16384xf32, #tpu.memory_space<hbm>>)
    %dma_wait3A_265 = tpu.memref_slice %arg3[%add3A_194] : memref<13107200xf32, #tpu.memory_space<hbm>> -> memref<16384xf32, #tpu.memory_space<hbm>>
    %dma_wait3A_266 = tpu.memref_slice %arg3[%add3A_194] : memref<13107200xf32, #tpu.memory_space<hbm>> -> memref<16384xf32, #tpu.memory_space<hbm>>
    tpu.wait_dma2 semaphore(%arg5 : memref<!tpu.dma_semaphore, #tpu.memory_space<semaphore_mem>>) src(%arg4 : memref<16384xf32, #tpu.memory_space<vmem>>) dst(%dma_wait3A_266 : memref<16384xf32, #tpu.memory_space<hbm>>)
    %dma_wait3A_267 = tpu.memref_slice %arg3[%add3A_203] : memref<13107200xf32, #tpu.memory_space<hbm>> -> memref<16384xf32, #tpu.memory_space<hbm>>
    %dma_wait3A_268 = tpu.memref_slice %arg3[%add3A_203] : memref<13107200xf32, #tpu.memory_space<hbm>> -> memref<16384xf32, #tpu.memory_space<hbm>>
    tpu.wait_dma2 semaphore(%arg5 : memref<!tpu.dma_semaphore, #tpu.memory_space<semaphore_mem>>) src(%arg4 : memref<16384xf32, #tpu.memory_space<vmem>>) dst(%dma_wait3A_268 : memref<16384xf32, #tpu.memory_space<hbm>>)
    %dma_wait3A_269 = tpu.memref_slice %arg3[%add3A_212] : memref<13107200xf32, #tpu.memory_space<hbm>> -> memref<16384xf32, #tpu.memory_space<hbm>>
    %dma_wait3A_270 = tpu.memref_slice %arg3[%add3A_212] : memref<13107200xf32, #tpu.memory_space<hbm>> -> memref<16384xf32, #tpu.memory_space<hbm>>
    tpu.wait_dma2 semaphore(%arg5 : memref<!tpu.dma_semaphore, #tpu.memory_space<semaphore_mem>>) src(%arg4 : memref<16384xf32, #tpu.memory_space<vmem>>) dst(%dma_wait3A_270 : memref<16384xf32, #tpu.memory_space<hbm>>)
    %dma_wait3A_271 = tpu.memref_slice %arg3[%add3A_221] : memref<13107200xf32, #tpu.memory_space<hbm>> -> memref<16384xf32, #tpu.memory_space<hbm>>
    %dma_wait3A_272 = tpu.memref_slice %arg3[%add3A_221] : memref<13107200xf32, #tpu.memory_space<hbm>> -> memref<16384xf32, #tpu.memory_space<hbm>>
    tpu.wait_dma2 semaphore(%arg5 : memref<!tpu.dma_semaphore, #tpu.memory_space<semaphore_mem>>) src(%arg4 : memref<16384xf32, #tpu.memory_space<vmem>>) dst(%dma_wait3A_272 : memref<16384xf32, #tpu.memory_space<hbm>>)
    return
  }
}

</mosaic_0001>

<sc_bundles>
// kernel: kernel.3.cloned.1.call-start
scs
__scs_entry_jumppad:
0x0: {  	(pc) =	sbr.rel $0x88, $3  }
0x1: {  	(tag) =	ssettag $0x0;
	lr =	simm.s32 $0x1  }
0x2: {  	[smem:$0x3FA0] =	sst lr;
	_ =	strace $0xD0000000  }
0x3: {  	_ = 	snop  }
0x4: {  	_ = 	snop  }
0x5: {  	_ = 	snop  }
0x6: {  	_ = 	snop  }
0x7: {  	_ = 	snop  }
__scs_overlays_trampoline_lowered:
0x8: {  	[smem:$0x3FAF] =	sst s0  }
0x9: {  	[smem:$0x3FB0] =	sst s1  }
0xa: {  	[smem:$0x3FB1] =	sst s2  }
0xb: {  	[smem:$0x3FB2] =	sst s3  }
0xc: {  	[smem:$0x3FB3] =	sst s4  }
0xd: {  	[smem:$0x3FB4] =	sst s5  }
0xe: {  	[smem:$0x3FB5] =	sst s6  }
0xf: {  	[smem:$0x3FB6] =	sst s7  }
0x10: {  	[smem:$0x3FB7] =	sst s8  }
0x11: {  	[smem:$0x3FB8] =	sst s9;
	s0 =	simm.s32 @!p0 $0x0  }
0x12: {  	s1 =	sld [smem:$0x3F9E];
	s0 =	simm.s32 @p0 $0x1  }
0x13: {  	[smem:$0x3FB9] =	sst s0;
	s0 =	simm.s32 @!p1 $0x0  }
0x14: {  	s2 =	sld [smem:$0x3F9D];
	s0 =	simm.s32 @p1 $0x1  }
0x15: {  	[smem:$0x3FBA] =	sst s0;
	s0 =	simm.s32 @!p2 $0x0  }
0x16: {  	s3 =	sld [smem:$0x3FDB];
	s0 =	simm.s32 @p2 $0x1  }
0x17: {  	s4 =	simm.s32 $0x1BF5;
	[smem:$0x3FBC] =	sst s0  }
0x18: {  	s0 =	sld [smem:$0x3F9F];
	_ =	swait.ge [sflag:s4], $0x0  }
0x19: {  	s7 =	sld [smem:$0x3FA0]  }
0x1a: {  	s8 =	sadd.s32 $0xFFFFE003, lr  }
0x1b: {  	s9 =	sadd.s32 $0xFFFFFEF7, lr;
	s5 =	simm.s32 $0xFFFFFFFF;
	p2 =	slt.u32 s8, $0xFFFFF086  }
0x1c: {  	p1 =	slt.u32 s9, $0xF7A;
	s5 =	simm.s32 @!p2 $0x0  }
0x1d: {  	s5 =	simm.s32 @p1 $0x1;
	p0 =	seq.s32 s7, s2  }
0x1e: {  	s7 =	smul.u32 @!p0 $0xF7A, s2;
	p2 =	seq.s32 @!p0 s5, $0x0  }
0x1f: {  	s9 =	smul.u32 $0xF7A, s1;
	s8 =	simm.s32 @!p0 $0x1BF5;
	p2 =	por !p2, p0  }
0x20: {  	[sflag:s8] =	ssyncset.s32 @!p0 $0xFFFFF086;
	s6 =	sadd.s32 @!p0 s3, s7;
	s7 =	simm.s32 @!p0 $0x108  }
0x21: {  	s3 =	sadd.s32 s3, s9;
	s6 =	sadd.s32 @!p0 $0x88, s6;
	s7 =	simm.s32 @p2 $0x1082  }
0x22: {  	[simem:s7], [sflag:s8] =	dma.local @!p0 [hbm:s6], $0xF7A  }
0x23: {  	s9 =	sor.u32 $0xD0000000, s2;
	s6 =	simm.s32 $0x108;
	_ =	swait.ge @!p0 [sflag:s8], $0x0  }
0x24: {  	s3 =	sadd.s32 $0x88, s3;
	s6 =	simm.s32 @!p1 $0x1082;
	[sflag:s4] =	ssyncset.s32 $0xFFFFF086  }
0x25: {  	[simem:s6], [sflag:s4] =	dma.local [hbm:s3], $0xF7A  }
0x26: {  	[smem:$0x3FA0] =	sst s1;
	(tag) =	ssettag s2;
	_ =	strace s9  }
0x27: {  	s1 =	sld [smem:$0x3FB0]  }
0x28: {  	s2 =	sld [smem:$0x3FB1]  }
0x29: {  	s4 =	sld [smem:$0x3FB3]  }
0x2a: {  	p0 =	seq.s32 s5, $0x0;
	s5 =	sld [smem:$0x3FB4]  }
0x2b: {  	s6 =	sld [smem:$0x3FB5]  }
0x2c: {  	s7 =	sld [smem:$0x3FB6]  }
0x2d: {  	s3 =	simm.s32 $0x108;
	s8 =	sld [smem:$0x3FB7]  }
0x2e: {  	s3 =	simm.s32 @!p0 $0x1082;
	s9 =	sld [smem:$0x3FB8]  }
0x2f: {  	lr =	sadd.s32 s0, s3;
	s0 =	sld [smem:$0x3FAF]  }
0x30: {  	s3 =	sld [smem:$0x3FB2]  }
0x31: {  	[smem:$0x3FBB] =	sst s10  }
0x32: {  	s10 =	sld [smem:$0x3FB9];
	_ =	sdelay $0x3  }
0x33: {  	p0 =	seq.s32 s10, $0x1;
	s10 =	sld [smem:$0x3FBB];
	_ =	sdelay $0x3  }
0x34: {  	[smem:$0x3FBB] =	sst s10  }
0x35: {  	s10 =	sld [smem:$0x3FBA];
	_ =	sdelay $0x3  }
0x36: {  	p1 =	seq.s32 s10, $0x1;
	s10 =	sld [smem:$0x3FBB];
	_ =	sdelay $0x3  }
0x37: {  	[smem:$0x3FBB] =	sst s10  }
0x38: {  	s10 =	sld [smem:$0x3FBC]  }
0x39: {  	_ = 	snop;
	(pc) =	sbr.ind lr, $3  }
0x3a: {  	_ = 	snop  }
0x3b: {  	_ = 	snop  }
0x3c: {  	p2 =	seq.s32 s10, $0x1;
	s10 =	sld [smem:$0x3FBB]  }
0x3d: {  	_ =	shalt  }
0x3e: {  	_ =	shalt  }
0x3f: {  	_ =	shalt  }
0x40: {  	_ =	shalt  }
0x41: {  	_ =	shalt  }
0x42: {  	_ =	shalt  }
0x43: {  	_ =	shalt  }
0x44: {  	_ =	shalt  }
0x45: {  	_ =	shalt  }
0x46: {  	_ =	shalt  }
0x47: {  	_ =	shalt  }
0x48: {  	_ =	shalt  }
0x49: {  	_ =	shalt  }
0x4a: {  	_ =	shalt  }
0x4b: {  	_ =	shalt  }
0x4c: {  	_ =	shalt  }
0x4d: {  	_ =	shalt  }
0x4e: {  	_ =	shalt  }
0x4f: {  	_ =	shalt  }
0x50: {  	_ =	shalt  }
0x51: {  	_ =	shalt  }
0x52: {  	_ =	shalt  }
0x53: {  	_ =	shalt  }
0x54: {  	_ =	shalt  }
0x55: {  	_ =	shalt  }
0x56: {  	_ =	shalt  }
0x57: {  	_ =	shalt  }
0x58: {  	_ =	shalt  }
0x59: {  	_ =	shalt  }
0x5a: {  	_ =	shalt  }
0x5b: {  	_ =	shalt  }
0x5c: {  	_ =	shalt  }
0x5d: {  	_ =	shalt  }
0x5e: {  	_ =	shalt  }
0x5f: {  	_ =	shalt  }
0x60: {  	_ =	shalt  }
0x61: {  	_ =	shalt  }
0x62: {  	_ =	shalt  }
0x63: {  	_ =	shalt  }
0x64: {  	_ =	shalt  }
0x65: {  	_ =	shalt  }
0x66: {  	_ =	shalt  }
0x67: {  	_ =	shalt  }
0x68: {  	_ =	shalt  }
0x69: {  	_ =	shalt  }
0x6a: {  	_ =	shalt  }
0x6b: {  	_ =	shalt  }
0x6c: {  	_ =	shalt  }
0x6d: {  	_ =	shalt  }
0x6e: {  	_ =	shalt  }
0x6f: {  	_ =	shalt  }
0x70: {  	_ =	shalt  }
0x71: {  	_ =	shalt  }
0x72: {  	_ =	shalt  }
0x73: {  	_ =	shalt  }
0x74: {  	_ =	shalt  }
0x75: {  	_ =	shalt  }
0x76: {  	_ =	shalt  }
0x77: {  	_ =	shalt  }
0x78: {  	_ =	shalt  }
0x79: {  	_ =	shalt  }
0x7a: {  	_ =	shalt  }
0x7b: {  	_ =	shalt  }
0x7c: {  	_ =	shalt  }
0x7d: {  	_ =	shalt  }
0x7e: {  	_ =	shalt  }
0x7f: {  	_ =	shalt  }
0x80: {  	_ =	shalt  }
0x81: {  	_ =	shalt  }
0x82: {  	_ =	shalt  }
0x83: {  	_ =	shalt  }
0x84: {  	_ =	shalt  }
0x85: {  	_ =	shalt  }
0x86: {  	_ =	shalt  }
0x87: {  	_ =	shalt  }
.Lfunc_end0:
.L_simem_size_0:
called_computation_lowered:
.L_overlay_start_0:
0x88: {  	s2 =	sld [smem:$0x3FD9]  }
0x89: {  	s3 =	sld [smem:$0x3FFE];
	_ =	sdelay $0x1  }
0x8a: {  	s1 =	srdreg.scid  }
0x8b: {  	s0 =	sand.u32 $0x1, s1  }
0x8c: {  	s18 =	sshll.u32 s0, $0xA;
	s2 =	sadd.s32 s3, s2  }
0x8d: {  	s2 =	sadd.s32 s2, s18  }
0x8e: {  	[smem:$0x3FC7] =	sst s2  }
0x8f: {  	_ = 	snop  }
0x90: {  	s2 =	sld [smem:$0x3FC9]  }
0x91: {  	s19 =	sld [smem:$0x3FD0];
	(tm) =	ssettm $0x1  }
0x92: {  	s4 =	sld [smem:$0x3FFB];
	_ =	sdelay $0x3  }
0x93: {  	_ =	strace s4  }
0x94: {  	s4 =	sld [smem:$0x3FFC];
	_ =	sdelay $0x3  }
0x95: {  	_ =	strace s4  }
0x96: {  	s4 =	sld [smem:$0x3FFD];
	_ =	sdelay $0x3  }
0x97: {  	_ =	strace s4  }
0x98: {  	_ =	strace $0x8FFFFFFF  }
0x99: {  	s20 =	sld [smem:$0x3FDB];
	_ =	sdelay $0x1  }
0x9a: {  	s5 =	simm.s32 $_scs_section_size  }
0x9b: {  	s6 =	simm.s32 $_size__tile_overlayer_lowered;
	s7 =	simm.s32 $_tile_overlayer_lowered  }
0x9c: {  	s23 =	simm.s32 $0x1BFF;
	s22 =	sshll.u32 s7, $0x1;
	s4 =	sadd.s32 s5, s20  }
0x9d: {  	s8 =	simm.s32 $0x0;
	s21 =	sshll.u32 s6, $0x1;
	s6 =	sadd.s32 s22, s4  }
0x9e: {  	[timem:s8], [sflag:s23] =	dma.local [hbm:s6], s21  }
0x9f: {  	_ =	swait.ge [sflag:s23], s21  }
0xa0: {  	s5 =	ssub.s32 $0x0, s21;
	[sflag:s23] =	ssyncset.done $0x0  }
0xa1: {  	[sflag:s23] =	ssyncadd.s32 s5;
	_ =	sdelay $0x1  }
0xa2: {  	s24 =	simm.s32 $0x1B8B  }
0xa3: {  	_ =	swait.ge [sflag:s24], $0x1  }
0xa4: {  	[sflag:s24] =	ssyncset.done $0x0  }
0xa5: {  	s25 =	simm.s32 $0x1B8E;
	[sflag:s24] =	ssyncadd.s32 $0xFFFFFFFF  }
0xa6: {  	s26 =	simm.s32 $execute0_lowered;
	[smem:$0x3FD2] =	sst s25  }
0xa7: {  	s5 =	sshll.u32 s26, $0x1;
	_ =	strace $0x80000046;
	[dreg:$0x1] =	wrdreg $0xFFFFFFFF  }
0xa8: {  	s28 =	simm.s32 $_size_execute0_lowered;
	s4 =	sadd.s32 s4, s5;
	[dreg:$0x0] =	wrdreg $0x0  }
0xa9: {  	s5 =	sshll.u32 s28, $0x1;
	[dreg:$0x2] =	wrdreg s4  }
0xaa: {  	[dreg:$0x3] =	wrdreg s5  }
0xab: {  	[dreg:$0x4] =	wrdreg $0xC0  }
0xac: {  	_ =	task [dreg:s8], $0x5FFFF  }
0xad: {  	[dreg:$0x1] =	wrdreg $0xFFFFFFFF  }
0xae: {  	[dreg:$0x0] =	wrdreg $0x60  }
0xaf: {  	[dreg:$0x2] =	wrdreg s2  }
0xb0: {  	[dreg:$0x3] =	wrdreg s19  }
0xb1: {  	[dreg:$0x4] =	wrdreg $0x9  }
0xb2: {  	_ =	task.clear_ibuf [dreg:s8], $0x5FFFF;
	_ =	strace $0x90000046  }
0xb3: {  	s29 =	simm.s32 $0x9;
	_ =	strace $0x80000048  }
0xb4: {  	_ =	swait.ge [sflag:s29], $0x1  }
0xb5: {  	[sflag:s29] =	ssyncadd.s32 $0xFFFFFFFF  }
0xb6: {  	_ =	strace $0x90000048  }
0xb7: {  	_ =	sfence  }
0xb8: {  	s30 =	sld [smem:$0x0];
	_ =	sdelay $0x2  }
0xb9: {  	s31 =	sshll.u32 s1, $0xD;
	s1 =	sshrl.u32 s1, $0x2  }
0xba: {  	s3 =	sand.u32 $0x4000, s31;
	s1 =	sadd.s32 s1, s30  }
0xbb: {  	s0 =	sor.u32 s3, s0;
	s1 =	sshll.u32 s1, $0x11  }
0xbc: {  	s0 =	sor.u32 s1, s0  }
0xbd: {  	s0 =	sadd.s32 $0x8F2B, s0  }
0xbe: {  	[sflag:s0] =	ssyncadd.remote.s32 $0x1  }
0xbf: {  	_ =	sfence.sel $0xFFFF  }
0xc0: {  	[dreg:$0x0] =	wrdreg $0xFFFFFFFF;
	(pc) =	sbr.abs _section_cstart, $3  }
0xc1: {  	[dreg:$0x1] =	wrdreg $0xFFFFFFFF  }
0xc2: {  	_ =	task.clear_ibuf [dreg:s8], $0x2FFFF;
	_ =	strace $0x9FFFFFFF  }
0xc3: {  	(tm) =	ssettm $0x7FFFFFFF  }
tec
execute0_lowered:
.L_overlay_start_1:
0x0: {  	(tag) =	ssettag $0x1  }
0x1: {  	s0 =	rddreg [dreg:$0x0]  }
0x2: {  	s2 =	rddreg [dreg:$0x1];
	s4 =	srdreg.scid;
	s3 =	simm.s32 $0x0  }
0x3: {  	s1 =	stileid.u32;
	p0 =	por $0x0, $0x0;
	s30 =	simm.s32 $0x2  }
0x4: {  	s4 =	sand.u32 $0x1, s4;
	[smem:$0x7FF] =	sst s3;
	s5 =	sshll.u32 s1, $0xB  }
0x5: {  	s6 =	sshll.u32 s4, $0xF;
	_ =	strace $0x80000047;
	s7 =	ssub.s32 $0x2, s4  }
0x6: {  	s0 =	sadd.s32 s0, s5;
	s24 =	sor.u32 s5, s6;
	s25 =	sshrl.u32 s7, $0x1  }
0x7: {  	[dreg:$0x3] =	wrdreg s0;
	s4 =	sadd.s32 s2, s24;
	s26 =	ssub.s32 s7, s25  }
0x8: {  	s2 =	simm.s32 $0x1;
	s0 =	rddreg [dreg:$0x3];
	s5 =	sadd.s32 $0x10000, s4  }
0x9: {  	s6 =	sadd.s32 $0x20000, s4;
	s7 =	sadd.s32 $0x30000, s4;
	s8 =	sadd.s32 $0x40000, s4  }
0xa: {  	s9 =	sadd.s32 $0x50000, s4;
	s10 =	sadd.s32 $0x60000, s4;
	s11 =	sadd.s32 $0x70000, s4  }
0xb: {  	s12 =	sadd.s32 $0x80000, s4;
	s13 =	sadd.s32 $0x90000, s4;
	s26 =	smax.u32 s26, $0x1  }
0xc: {  	s14 =	sadd.s32 $0xA0000, s4;
	s15 =	sadd.s32 $0xB0000, s4;
	p1 =	sne.s32 s26, $0x1  }
.Ltmp0:
0xd: {  	s16 =	sadd.s32 $0xC0000, s4;
	s17 =	sadd.s32 $0xD0000, s4;
	(pc) =	sbr.rel @!p1 .LBB2_3-.Ltmp0, $4  }
0xe: {  	s18 =	sadd.s32 $0xE0000, s4;
	s19 =	sadd.s32 $0xF0000, s4;
	s20 =	sadd.s32 $0x100000, s4  }
0xf: {  	s21 =	sadd.s32 $0x110000, s4;
	s22 =	sadd.s32 $0x120000, s4;
	s23 =	sadd.s32 $0x130000, s4  }
0x10: {  	s24 =	sadd.s32 $0x140000, s4;
	s25 =	sadd.s32 $0x150000, s4;
	s28 =	sadd.s32 $0x170000, s4  }
0x11: {  	s29 =	sadd.s32 $0x180000, s4;
	s31 =	sadd.s32 $0xFFFFFFFF, s26;
	s26 =	sadd.s32 $0x160000, s4  }
0x12: {  	[tilespmem:s3], [sflag:$0x2] =	stream.linear.gather [hbm4b:s0+s3], $0x4000, $0x38;
	[tilespmem:$0x4000] =	vst v63  }
0x13: {  	_ =	swait.ge [sflag:s30], $0x4000  }
0x14: {  	[sflag:s30] =	ssyncset.done $0x0  }
0x15: {  	[sflag:s30] =	ssyncadd.s32 $0xFFFFC000  }
0x16: {  	[hbm4b:s4+s3] =	stream.linear.scatter [tilespmem:s3], [sflag:$0x1], $0x4000, $0x38;
	[tilespmem:$0x4000] =	vst v63  }
0x17: {  	_ = 	snop  }
0x18: {  	[hbm4b:s5+s3] =	stream.linear.scatter [tilespmem:s3], [sflag:$0x1], $0x4000, $0x38;
	[tilespmem:$0x4000] =	vst v63  }
0x19: {  	_ = 	snop  }
0x1a: {  	[hbm4b:s6+s3] =	stream.linear.scatter [tilespmem:s3], [sflag:$0x1], $0x4000, $0x38;
	[tilespmem:$0x4000] =	vst v63  }
0x1b: {  	_ = 	snop  }
0x1c: {  	[hbm4b:s7+s3] =	stream.linear.scatter [tilespmem:s3], [sflag:$0x1], $0x4000, $0x38;
	[tilespmem:$0x4000] =	vst v63  }
0x1d: {  	_ = 	snop  }
0x1e: {  	[hbm4b:s8+s3] =	stream.linear.scatter [tilespmem:s3], [sflag:$0x1], $0x4000, $0x38;
	[tilespmem:$0x4000] =	vst v63  }
0x1f: {  	_ = 	snop  }
0x20: {  	[hbm4b:s9+s3] =	stream.linear.scatter [tilespmem:s3], [sflag:$0x1], $0x4000, $0x38;
	[tilespmem:$0x4000] =	vst v63  }
0x21: {  	_ = 	snop  }
0x22: {  	[hbm4b:s10+s3] =	stream.linear.scatter [tilespmem:s3], [sflag:$0x1], $0x4000, $0x38;
	[tilespmem:$0x4000] =	vst v63  }
0x23: {  	_ = 	snop  }
0x24: {  	[hbm4b:s11+s3] =	stream.linear.scatter [tilespmem:s3], [sflag:$0x1], $0x4000, $0x38;
	[tilespmem:$0x4000] =	vst v63  }
0x25: {  	_ = 	snop  }
0x26: {  	[hbm4b:s12+s3] =	stream.linear.scatter [tilespmem:s3], [sflag:$0x1], $0x4000, $0x38;
	[tilespmem:$0x4000] =	vst v63  }
0x27: {  	_ = 	snop  }
0x28: {  	[hbm4b:s13+s3] =	stream.linear.scatter [tilespmem:s3], [sflag:$0x1], $0x4000, $0x38;
	[tilespmem:$0x4000] =	vst v63  }
0x29: {  	_ = 	snop  }
0x2a: {  	[hbm4b:s14+s3] =	stream.linear.scatter [tilespmem:s3], [sflag:$0x1], $0x4000, $0x38;
	[tilespmem:$0x4000] =	vst v63  }
0x2b: {  	_ = 	snop  }
0x2c: {  	[hbm4b:s15+s3] =	stream.linear.scatter [tilespmem:s3], [sflag:$0x1], $0x4000, $0x38;
	[tilespmem:$0x4000] =	vst v63  }
0x2d: {  	_ = 	snop  }
0x2e: {  	[hbm4b:s16+s3] =	stream.linear.scatter [tilespmem:s3], [sflag:$0x1], $0x4000, $0x38;
	[tilespmem:$0x4000] =	vst v63  }
0x2f: {  	_ = 	snop  }
0x30: {  	[hbm4b:s17+s3] =	stream.linear.scatter [tilespmem:s3], [sflag:$0x1], $0x4000, $0x38;
	[tilespmem:$0x4000] =	vst v63  }
0x31: {  	_ = 	snop  }
0x32: {  	[hbm4b:s18+s3] =	stream.linear.scatter [tilespmem:s3], [sflag:$0x1], $0x4000, $0x38;
	[tilespmem:$0x4000] =	vst v63  }
0x33: {  	_ = 	snop  }
0x34: {  	[hbm4b:s19+s3] =	stream.linear.scatter [tilespmem:s3], [sflag:$0x1], $0x4000, $0x38;
	[tilespmem:$0x4000] =	vst v63  }
0x35: {  	_ = 	snop  }
0x36: {  	[hbm4b:s20+s3] =	stream.linear.scatter [tilespmem:s3], [sflag:$0x1], $0x4000, $0x38;
	[tilespmem:$0x4000] =	vst v63  }
0x37: {  	_ = 	snop  }
0x38: {  	[hbm4b:s21+s3] =	stream.linear.scatter [tilespmem:s3], [sflag:$0x1], $0x4000, $0x38;
	[tilespmem:$0x4000] =	vst v63  }
0x39: {  	_ = 	snop  }
0x3a: {  	[hbm4b:s22+s3] =	stream.linear.scatter [tilespmem:s3], [sflag:$0x1], $0x4000, $0x38;
	[tilespmem:$0x4000] =	vst v63  }
0x3b: {  	_ = 	snop  }
0x3c: {  	[hbm4b:s23+s3] =	stream.linear.scatter [tilespmem:s3], [sflag:$0x1], $0x4000, $0x38;
	[tilespmem:$0x4000] =	vst v63  }
0x3d: {  	_ = 	snop  }
0x3e: {  	[hbm4b:s24+s3] =	stream.linear.scatter [tilespmem:s3], [sflag:$0x1], $0x4000, $0x38;
	[tilespmem:$0x4000] =	vst v63  }
0x3f: {  	_ = 	snop  }
0x40: {  	[hbm4b:s25+s3] =	stream.linear.scatter [tilespmem:s3], [sflag:$0x1], $0x4000, $0x38;
	[tilespmem:$0x4000] =	vst v63  }
0x41: {  	_ = 	snop  }
0x42: {  	[hbm4b:s26+s3] =	stream.linear.scatter [tilespmem:s3], [sflag:$0x1], $0x4000, $0x38;
	[tilespmem:$0x4000] =	vst v63  }
0x43: {  	_ = 	snop  }
0x44: {  	[hbm4b:s28+s3] =	stream.linear.scatter [tilespmem:s3], [sflag:$0x1], $0x4000, $0x38;
	[tilespmem:$0x4000] =	vst v63  }
0x45: {  	_ = 	snop  }
0x46: {  	[hbm4b:s29+s3] =	stream.linear.scatter [tilespmem:s3], [sflag:$0x1], $0x4000, $0x38;
	[tilespmem:$0x4000] =	vst v63  }
0x47: {  	_ =	swait.ge [sflag:s2], $0x4000  }
0x48: {  	[sflag:s2] =	ssyncset.done $0x0  }
0x49: {  	[sflag:s2] =	ssyncadd.s32 $0xFFFFC000  }
0x4a: {  	_ =	swait.ge [sflag:s2], $0x4000  }
0x4b: {  	[sflag:s2] =	ssyncset.done $0x0  }
0x4c: {  	[sflag:s2] =	ssyncadd.s32 $0xFFFFC000  }
0x4d: {  	_ =	swait.ge [sflag:s2], $0x4000  }
0x4e: {  	[sflag:s2] =	ssyncset.done $0x0  }
0x4f: {  	[sflag:s2] =	ssyncadd.s32 $0xFFFFC000  }
0x50: {  	_ =	swait.ge [sflag:s2], $0x4000  }
0x51: {  	[sflag:s2] =	ssyncset.done $0x0  }
0x52: {  	[sflag:s2] =	ssyncadd.s32 $0xFFFFC000  }
0x53: {  	_ =	swait.ge [sflag:s2], $0x4000  }
0x54: {  	[sflag:s2] =	ssyncset.done $0x0  }
0x55: {  	[sflag:s2] =	ssyncadd.s32 $0xFFFFC000  }
0x56: {  	_ =	swait.ge [sflag:s2], $0x4000  }
0x57: {  	[sflag:s2] =	ssyncset.done $0x0  }
0x58: {  	[sflag:s2] =	ssyncadd.s32 $0xFFFFC000  }
0x59: {  	_ =	swait.ge [sflag:s2], $0x4000  }
0x5a: {  	[sflag:s2] =	ssyncset.done $0x0  }
0x5b: {  	[sflag:s2] =	ssyncadd.s32 $0xFFFFC000  }
0x5c: {  	_ =	swait.ge [sflag:s2], $0x4000  }
0x5d: {  	[sflag:s2] =	ssyncset.done $0x0  }
0x5e: {  	[sflag:s2] =	ssyncadd.s32 $0xFFFFC000  }
0x5f: {  	_ =	swait.ge [sflag:s2], $0x4000  }
0x60: {  	[sflag:s2] =	ssyncset.done $0x0  }
0x61: {  	[sflag:s2] =	ssyncadd.s32 $0xFFFFC000  }
0x62: {  	_ =	swait.ge [sflag:s2], $0x4000  }
0x63: {  	[sflag:s2] =	ssyncset.done $0x0  }
0x64: {  	[sflag:s2] =	ssyncadd.s32 $0xFFFFC000  }
0x65: {  	_ =	swait.ge [sflag:s2], $0x4000  }
0x66: {  	[sflag:s2] =	ssyncset.done $0x0  }
0x67: {  	[sflag:s2] =	ssyncadd.s32 $0xFFFFC000  }
0x68: {  	_ =	swait.ge [sflag:s2], $0x4000  }
0x69: {  	[sflag:s2] =	ssyncset.done $0x0  }
0x6a: {  	[sflag:s2] =	ssyncadd.s32 $0xFFFFC000  }
0x6b: {  	_ =	swait.ge [sflag:s2], $0x4000  }
0x6c: {  	[sflag:s2] =	ssyncset.done $0x0  }
0x6d: {  	[sflag:s2] =	ssyncadd.s32 $0xFFFFC000  }
0x6e: {  	_ =	swait.ge [sflag:s2], $0x4000  }
0x6f: {  	[sflag:s2] =	ssyncset.done $0x0  }
0x70: {  	[sflag:s2] =	ssyncadd.s32 $0xFFFFC000  }
0x71: {  	_ =	swait.ge [sflag:s2], $0x4000  }
0x72: {  	[sflag:s2] =	ssyncset.done $0x0  }
0x73: {  	[sflag:s2] =	ssyncadd.s32 $0xFFFFC000  }
0x74: {  	_ =	swait.ge [sflag:s2], $0x4000  }
0x75: {  	[sflag:s2] =	ssyncset.done $0x0  }
0x76: {  	[sflag:s2] =	ssyncadd.s32 $0xFFFFC000  }
0x77: {  	_ =	swait.ge [sflag:s2], $0x4000  }
0x78: {  	[sflag:s2] =	ssyncset.done $0x0  }
0x79: {  	[sflag:s2] =	ssyncadd.s32 $0xFFFFC000  }
0x7a: {  	_ =	swait.ge [sflag:s2], $0x4000  }
0x7b: {  	[sflag:s2] =	ssyncset.done $0x0  }
0x7c: {  	[sflag:s2] =	ssyncadd.s32 $0xFFFFC000  }
0x7d: {  	_ =	swait.ge [sflag:s2], $0x4000  }
0x7e: {  	[sflag:s2] =	ssyncset.done $0x0  }
0x7f: {  	[sflag:s2] =	ssyncadd.s32 $0xFFFFC000  }
0x80: {  	_ =	swait.ge [sflag:s2], $0x4000  }
0x81: {  	[sflag:s2] =	ssyncset.done $0x0  }
0x82: {  	[sflag:s2] =	ssyncadd.s32 $0xFFFFC000  }
0x83: {  	_ =	swait.ge [sflag:s2], $0x4000  }
0x84: {  	[sflag:s2] =	ssyncset.done $0x0  }
0x85: {  	[sflag:s2] =	ssyncadd.s32 $0xFFFFC000  }
0x86: {  	_ =	swait.ge [sflag:s2], $0x4000  }
0x87: {  	[sflag:s2] =	ssyncset.done $0x0  }
0x88: {  	[sflag:s2] =	ssyncadd.s32 $0xFFFFC000  }
0x89: {  	_ =	swait.ge [sflag:s2], $0x4000  }
0x8a: {  	[sflag:s2] =	ssyncset.done $0x0  }
0x8b: {  	p1 =	sne.s32 s31, $0x1;
	[sflag:s2] =	ssyncadd.s32 $0xFFFFC000  }
.Ltmp1:
0x8c: {  	_ =	swait.ge [sflag:s2], $0x4000;
	(pc) =	sbr.rel @!p1 .LBB2_3-.Ltmp1, $4  }
0x8d: {  	[sflag:s2] =	ssyncset.done $0x0  }
0x8e: {  	[sflag:s2] =	ssyncadd.s32 $0xFFFFC000  }
0x8f: {  	s31 =	sadd.s32 $0xFFFFFFFF, s31;
	_ =	swait.ge [sflag:s2], $0x4000  }
0x90: {  	p0 =	por $0x1, $0x1;
	s0 =	rddreg [dreg:$0x3];
	[sflag:s2] =	ssyncset.done $0x0  }
.LBB2_2:
0x91: {  	[sflag:s2] =	ssyncadd.s32 $0xFFFFC000  }
0x92: {  	[tilespmem:s3], [sflag:$0x2] =	stream.linear.gather [hbm4b:s0+s3], $0x4000, $0x38;
	[tilespmem:$0x4000] =	vst v63  }
0x93: {  	_ =	swait.ge [sflag:s30], $0x4000  }
0x94: {  	[sflag:s30] =	ssyncset.done $0x0  }
0x95: {  	[sflag:s30] =	ssyncadd.s32 $0xFFFFC000  }
0x96: {  	[hbm4b:s4+s3] =	stream.linear.scatter [tilespmem:s3], [sflag:$0x1], $0x4000, $0x38;
	[tilespmem:$0x4000] =	vst v63  }
0x97: {  	_ = 	snop  }
0x98: {  	[hbm4b:s5+s3] =	stream.linear.scatter [tilespmem:s3], [sflag:$0x1], $0x4000, $0x38;
	[tilespmem:$0x4000] =	vst v63  }
0x99: {  	_ = 	snop  }
0x9a: {  	[hbm4b:s6+s3] =	stream.linear.scatter [tilespmem:s3], [sflag:$0x1], $0x4000, $0x38;
	[tilespmem:$0x4000] =	vst v63  }
0x9b: {  	_ = 	snop  }
0x9c: {  	[hbm4b:s7+s3] =	stream.linear.scatter [tilespmem:s3], [sflag:$0x1], $0x4000, $0x38;
	[tilespmem:$0x4000] =	vst v63  }
0x9d: {  	_ = 	snop  }
0x9e: {  	[hbm4b:s8+s3] =	stream.linear.scatter [tilespmem:s3], [sflag:$0x1], $0x4000, $0x38;
	[tilespmem:$0x4000] =	vst v63  }
0x9f: {  	_ = 	snop  }
0xa0: {  	[hbm4b:s9+s3] =	stream.linear.scatter [tilespmem:s3], [sflag:$0x1], $0x4000, $0x38;
	[tilespmem:$0x4000] =	vst v63  }
0xa1: {  	_ = 	snop  }
0xa2: {  	[hbm4b:s10+s3] =	stream.linear.scatter [tilespmem:s3], [sflag:$0x1], $0x4000, $0x38;
	[tilespmem:$0x4000] =	vst v63  }
0xa3: {  	_ = 	snop  }
0xa4: {  	[hbm4b:s11+s3] =	stream.linear.scatter [tilespmem:s3], [sflag:$0x1], $0x4000, $0x38;
	[tilespmem:$0x4000] =	vst v63  }
0xa5: {  	_ = 	snop  }
0xa6: {  	[hbm4b:s12+s3] =	stream.linear.scatter [tilespmem:s3], [sflag:$0x1], $0x4000, $0x38;
	[tilespmem:$0x4000] =	vst v63  }
0xa7: {  	_ = 	snop  }
0xa8: {  	[hbm4b:s13+s3] =	stream.linear.scatter [tilespmem:s3], [sflag:$0x1], $0x4000, $0x38;
	[tilespmem:$0x4000] =	vst v63  }
0xa9: {  	_ = 	snop  }
0xaa: {  	[hbm4b:s14+s3] =	stream.linear.scatter [tilespmem:s3], [sflag:$0x1], $0x4000, $0x38;
	[tilespmem:$0x4000] =	vst v63  }
0xab: {  	_ = 	snop  }
0xac: {  	[hbm4b:s15+s3] =	stream.linear.scatter [tilespmem:s3], [sflag:$0x1], $0x4000, $0x38;
	[tilespmem:$0x4000] =	vst v63  }
0xad: {  	_ = 	snop  }
0xae: {  	[hbm4b:s16+s3] =	stream.linear.scatter [tilespmem:s3], [sflag:$0x1], $0x4000, $0x38;
	[tilespmem:$0x4000] =	vst v63  }
0xaf: {  	_ = 	snop  }
0xb0: {  	[hbm4b:s17+s3] =	stream.linear.scatter [tilespmem:s3], [sflag:$0x1], $0x4000, $0x38;
	[tilespmem:$0x4000] =	vst v63  }
0xb1: {  	_ = 	snop  }
0xb2: {  	[hbm4b:s18+s3] =	stream.linear.scatter [tilespmem:s3], [sflag:$0x1], $0x4000, $0x38;
	[tilespmem:$0x4000] =	vst v63  }
0xb3: {  	_ = 	snop  }
0xb4: {  	[hbm4b:s19+s3] =	stream.linear.scatter [tilespmem:s3], [sflag:$0x1], $0x4000, $0x38;
	[tilespmem:$0x4000] =	vst v63  }
0xb5: {  	_ = 	snop  }
0xb6: {  	[hbm4b:s20+s3] =	stream.linear.scatter [tilespmem:s3], [sflag:$0x1], $0x4000, $0x38;
	[tilespmem:$0x4000] =	vst v63  }
0xb7: {  	_ = 	snop  }
0xb8: {  	[hbm4b:s21+s3] =	stream.linear.scatter [tilespmem:s3], [sflag:$0x1], $0x4000, $0x38;
	[tilespmem:$0x4000] =	vst v63  }
0xb9: {  	_ = 	snop  }
0xba: {  	[hbm4b:s22+s3] =	stream.linear.scatter [tilespmem:s3], [sflag:$0x1], $0x4000, $0x38;
	[tilespmem:$0x4000] =	vst v63  }
0xbb: {  	_ = 	snop  }
0xbc: {  	[hbm4b:s23+s3] =	stream.linear.scatter [tilespmem:s3], [sflag:$0x1], $0x4000, $0x38;
	[tilespmem:$0x4000] =	vst v63  }
0xbd: {  	_ = 	snop  }
0xbe: {  	[hbm4b:s24+s3] =	stream.linear.scatter [tilespmem:s3], [sflag:$0x1], $0x4000, $0x38;
	[tilespmem:$0x4000] =	vst v63  }
0xbf: {  	_ = 	snop  }
0xc0: {  	[hbm4b:s25+s3] =	stream.linear.scatter [tilespmem:s3], [sflag:$0x1], $0x4000, $0x38;
	[tilespmem:$0x4000] =	vst v63  }
0xc1: {  	_ = 	snop  }
0xc2: {  	[hbm4b:s26+s3] =	stream.linear.scatter [tilespmem:s3], [sflag:$0x1], $0x4000, $0x38;
	[tilespmem:$0x4000] =	vst v63  }
0xc3: {  	_ = 	snop  }
0xc4: {  	[hbm4b:s28+s3] =	stream.linear.scatter [tilespmem:s3], [sflag:$0x1], $0x4000, $0x38;
	[tilespmem:$0x4000] =	vst v63  }
0xc5: {  	_ = 	snop  }
0xc6: {  	[hbm4b:s29+s3] =	stream.linear.scatter [tilespmem:s3], [sflag:$0x1], $0x4000, $0x38;
	[tilespmem:$0x4000] =	vst v63  }
0xc7: {  	_ =	swait.ge [sflag:s2], $0x4000  }
0xc8: {  	[sflag:s2] =	ssyncset.done $0x0  }
0xc9: {  	[sflag:s2] =	ssyncadd.s32 $0xFFFFC000  }
0xca: {  	_ =	swait.ge [sflag:s2], $0x4000  }
0xcb: {  	[sflag:s2] =	ssyncset.done $0x0  }
0xcc: {  	[sflag:s2] =	ssyncadd.s32 $0xFFFFC000  }
0xcd: {  	_ =	swait.ge [sflag:s2], $0x4000  }
0xce: {  	[sflag:s2] =	ssyncset.done $0x0  }
0xcf: {  	[sflag:s2] =	ssyncadd.s32 $0xFFFFC000  }
0xd0: {  	_ =	swait.ge [sflag:s2], $0x4000  }
0xd1: {  	[sflag:s2] =	ssyncset.done $0x0  }
0xd2: {  	[sflag:s2] =	ssyncadd.s32 $0xFFFFC000  }
0xd3: {  	_ =	swait.ge [sflag:s2], $0x4000  }
0xd4: {  	[sflag:s2] =	ssyncset.done $0x0  }
0xd5: {  	[sflag:s2] =	ssyncadd.s32 $0xFFFFC000  }
0xd6: {  	_ =	swait.ge [sflag:s2], $0x4000  }
0xd7: {  	[sflag:s2] =	ssyncset.done $0x0  }
0xd8: {  	[sflag:s2] =	ssyncadd.s32 $0xFFFFC000  }
0xd9: {  	_ =	swait.ge [sflag:s2], $0x4000  }
0xda: {  	[sflag:s2] =	ssyncset.done $0x0  }
0xdb: {  	[sflag:s2] =	ssyncadd.s32 $0xFFFFC000  }
0xdc: {  	_ =	swait.ge [sflag:s2], $0x4000  }
0xdd: {  	[sflag:s2] =	ssyncset.done $0x0  }
0xde: {  	[sflag:s2] =	ssyncadd.s32 $0xFFFFC000  }
0xdf: {  	_ =	swait.ge [sflag:s2], $0x4000  }
0xe0: {  	[sflag:s2] =	ssyncset.done $0x0  }
0xe1: {  	[sflag:s2] =	ssyncadd.s32 $0xFFFFC000  }
0xe2: {  	_ =	swait.ge [sflag:s2], $0x4000  }
0xe3: {  	[sflag:s2] =	ssyncset.done $0x0  }
0xe4: {  	[sflag:s2] =	ssyncadd.s32 $0xFFFFC000  }
0xe5: {  	_ =	swait.ge [sflag:s2], $0x4000  }
0xe6: {  	[sflag:s2] =	ssyncset.done $0x0  }
0xe7: {  	[sflag:s2] =	ssyncadd.s32 $0xFFFFC000  }
0xe8: {  	_ =	swait.ge [sflag:s2], $0x4000  }
0xe9: {  	[sflag:s2] =	ssyncset.done $0x0  }
0xea: {  	[sflag:s2] =	ssyncadd.s32 $0xFFFFC000  }
0xeb: {  	_ =	swait.ge [sflag:s2], $0x4000  }
0xec: {  	[sflag:s2] =	ssyncset.done $0x0  }
0xed: {  	[sflag:s2] =	ssyncadd.s32 $0xFFFFC000  }
0xee: {  	_ =	swait.ge [sflag:s2], $0x4000  }
0xef: {  	[sflag:s2] =	ssyncset.done $0x0  }
0xf0: {  	[sflag:s2] =	ssyncadd.s32 $0xFFFFC000  }
0xf1: {  	_ =	swait.ge [sflag:s2], $0x4000  }
0xf2: {  	[sflag:s2] =	ssyncset.done $0x0  }
0xf3: {  	[sflag:s2] =	ssyncadd.s32 $0xFFFFC000  }
0xf4: {  	_ =	swait.ge [sflag:s2], $0x4000  }
0xf5: {  	[sflag:s2] =	ssyncset.done $0x0  }
0xf6: {  	[sflag:s2] =	ssyncadd.s32 $0xFFFFC000  }
0xf7: {  	_ =	swait.ge [sflag:s2], $0x4000  }
0xf8: {  	[sflag:s2] =	ssyncset.done $0x0  }
0xf9: {  	[sflag:s2] =	ssyncadd.s32 $0xFFFFC000  }
0xfa: {  	_ =	swait.ge [sflag:s2], $0x4000  }
0xfb: {  	[sflag:s2] =	ssyncset.done $0x0  }
0xfc: {  	[sflag:s2] =	ssyncadd.s32 $0xFFFFC000  }
0xfd: {  	_ =	swait.ge [sflag:s2], $0x4000  }
0xfe: {  	[sflag:s2] =	ssyncset.done $0x0  }
0xff: {  	[sflag:s2] =	ssyncadd.s32 $0xFFFFC000  }
0x100: {  	_ =	swait.ge [sflag:s2], $0x4000  }
0x101: {  	[sflag:s2] =	ssyncset.done $0x0  }
0x102: {  	[sflag:s2] =	ssyncadd.s32 $0xFFFFC000  }
0x103: {  	_ =	swait.ge [sflag:s2], $0x4000  }
0x104: {  	[sflag:s2] =	ssyncset.done $0x0  }
0x105: {  	[sflag:s2] =	ssyncadd.s32 $0xFFFFC000  }
0x106: {  	_ =	swait.ge [sflag:s2], $0x4000  }
0x107: {  	[sflag:s2] =	ssyncset.done $0x0  }
0x108: {  	[sflag:s2] =	ssyncadd.s32 $0xFFFFC000  }
0x109: {  	_ =	swait.ge [sflag:s2], $0x4000  }
0x10a: {  	[sflag:s2] =	ssyncset.done $0x0  }
0x10b: {  	p1 =	sne.s32 s31, $0x1;
	[sflag:s2] =	ssyncadd.s32 $0xFFFFC000  }
.Ltmp2:
0x10c: {  	_ =	swait.ge [sflag:s2], $0x4000;
	(pc) =	sbr.rel @p1 .LBB2_2-.Ltmp2, $4  }
0x10d: {  	[sflag:s2] =	ssyncset.done $0x0  }
0x10e: {  	[sflag:s2] =	ssyncadd.s32 $0xFFFFC000  }
0x10f: {  	_ =	swait.ge [sflag:s2], $0x4000  }
0x110: {  	s31 =	sadd.s32 $0xFFFFFFFF, s31;
	s0 =	rddreg [dreg:$0x3];
	[sflag:s2] =	ssyncset.done $0x0  }
.LBB2_3:
0x111: {  	[sflag:s2] =	ssyncadd.s32 @p0 $0xFFFFC000  }
0x112: {  	[tilespmem:s3], [sflag:$0x2] =	stream.linear.gather [hbm4b:s0+s3], $0x4000, $0x38;
	[tilespmem:$0x4000] =	vst v63  }
0x113: {  	_ =	swait.ge [sflag:s30], $0x4000  }
0x114: {  	[sflag:s30] =	ssyncset.done $0x0  }
0x115: {  	[sflag:s30] =	ssyncadd.s32 $0xFFFFC000  }
0x116: {  	[hbm4b:s4+s3] =	stream.linear.scatter [tilespmem:s3], [sflag:$0x1], $0x4000, $0x38;
	[tilespmem:$0x4000] =	vst v63  }
0x117: {  	_ = 	snop  }
0x118: {  	[hbm4b:s5+s3] =	stream.linear.scatter [tilespmem:s3], [sflag:$0x1], $0x4000, $0x38;
	[tilespmem:$0x4000] =	vst v63  }
0x119: {  	_ = 	snop  }
0x11a: {  	[hbm4b:s6+s3] =	stream.linear.scatter [tilespmem:s3], [sflag:$0x1], $0x4000, $0x38;
	[tilespmem:$0x4000] =	vst v63  }
0x11b: {  	_ = 	snop  }
0x11c: {  	[hbm4b:s7+s3] =	stream.linear.scatter [tilespmem:s3], [sflag:$0x1], $0x4000, $0x38;
	[tilespmem:$0x4000] =	vst v63  }
0x11d: {  	_ = 	snop  }
0x11e: {  	[hbm4b:s8+s3] =	stream.linear.scatter [tilespmem:s3], [sflag:$0x1], $0x4000, $0x38;
	[tilespmem:$0x4000] =	vst v63  }
0x11f: {  	_ = 	snop  }
0x120: {  	[hbm4b:s9+s3] =	stream.linear.scatter [tilespmem:s3], [sflag:$0x1], $0x4000, $0x38;
	[tilespmem:$0x4000] =	vst v63  }
0x121: {  	_ = 	snop  }
0x122: {  	[hbm4b:s10+s3] =	stream.linear.scatter [tilespmem:s3], [sflag:$0x1], $0x4000, $0x38;
	[tilespmem:$0x4000] =	vst v63  }
0x123: {  	_ = 	snop  }
0x124: {  	[hbm4b:s11+s3] =	stream.linear.scatter [tilespmem:s3], [sflag:$0x1], $0x4000, $0x38;
	[tilespmem:$0x4000] =	vst v63  }
0x125: {  	_ = 	snop  }
0x126: {  	[hbm4b:s12+s3] =	stream.linear.scatter [tilespmem:s3], [sflag:$0x1], $0x4000, $0x38;
	[tilespmem:$0x4000] =	vst v63  }
0x127: {  	_ = 	snop  }
0x128: {  	[hbm4b:s13+s3] =	stream.linear.scatter [tilespmem:s3], [sflag:$0x1], $0x4000, $0x38;
	[tilespmem:$0x4000] =	vst v63  }
0x129: {  	_ = 	snop  }
0x12a: {  	[hbm4b:s14+s3] =	stream.linear.scatter [tilespmem:s3], [sflag:$0x1], $0x4000, $0x38;
	[tilespmem:$0x4000] =	vst v63  }
0x12b: {  	_ = 	snop  }
0x12c: {  	[hbm4b:s15+s3] =	stream.linear.scatter [tilespmem:s3], [sflag:$0x1], $0x4000, $0x38;
	[tilespmem:$0x4000] =	vst v63  }
0x12d: {  	_ = 	snop  }
0x12e: {  	[hbm4b:s16+s3] =	stream.linear.scatter [tilespmem:s3], [sflag:$0x1], $0x4000, $0x38;
	[tilespmem:$0x4000] =	vst v63  }
0x12f: {  	_ = 	snop  }
0x130: {  	[hbm4b:s17+s3] =	stream.linear.scatter [tilespmem:s3], [sflag:$0x1], $0x4000, $0x38;
	[tilespmem:$0x4000] =	vst v63  }
0x131: {  	_ = 	snop  }
0x132: {  	[hbm4b:s18+s3] =	stream.linear.scatter [tilespmem:s3], [sflag:$0x1], $0x4000, $0x38;
	[tilespmem:$0x4000] =	vst v63  }
0x133: {  	_ = 	snop  }
0x134: {  	[hbm4b:s19+s3] =	stream.linear.scatter [tilespmem:s3], [sflag:$0x1], $0x4000, $0x38;
	[tilespmem:$0x4000] =	vst v63  }
0x135: {  	_ = 	snop  }
0x136: {  	[hbm4b:s20+s3] =	stream.linear.scatter [tilespmem:s3], [sflag:$0x1], $0x4000, $0x38;
	[tilespmem:$0x4000] =	vst v63  }
0x137: {  	_ = 	snop  }
0x138: {  	[hbm4b:s21+s3] =	stream.linear.scatter [tilespmem:s3], [sflag:$0x1], $0x4000, $0x38;
	[tilespmem:$0x4000] =	vst v63  }
0x139: {  	_ = 	snop  }
0x13a: {  	[hbm4b:s22+s3] =	stream.linear.scatter [tilespmem:s3], [sflag:$0x1], $0x4000, $0x38;
	[tilespmem:$0x4000] =	vst v63  }
0x13b: {  	_ = 	snop  }
0x13c: {  	[hbm4b:s23+s3] =	stream.linear.scatter [tilespmem:s3], [sflag:$0x1], $0x4000, $0x38;
	[tilespmem:$0x4000] =	vst v63  }
0x13d: {  	_ = 	snop  }
0x13e: {  	[hbm4b:s24+s3] =	stream.linear.scatter [tilespmem:s3], [sflag:$0x1], $0x4000, $0x38;
	[tilespmem:$0x4000] =	vst v63  }
0x13f: {  	_ = 	snop  }
0x140: {  	[hbm4b:s25+s3] =	stream.linear.scatter [tilespmem:s3], [sflag:$0x1], $0x4000, $0x38;
	[tilespmem:$0x4000] =	vst v63  }
0x141: {  	_ = 	snop  }
0x142: {  	[hbm4b:s26+s3] =	stream.linear.scatter [tilespmem:s3], [sflag:$0x1], $0x4000, $0x38;
	[tilespmem:$0x4000] =	vst v63  }
0x143: {  	_ = 	snop  }
0x144: {  	[hbm4b:s28+s3] =	stream.linear.scatter [tilespmem:s3], [sflag:$0x1], $0x4000, $0x38;
	[tilespmem:$0x4000] =	vst v63  }
0x145: {  	_ = 	snop  }
0x146: {  	[hbm4b:s29+s3] =	stream.linear.scatter [tilespmem:s3], [sflag:$0x1], $0x4000, $0x38;
	[tilespmem:$0x4000] =	vst v63  }
0x147: {  	_ =	swait.ge [sflag:s2], $0x4000  }
0x148: {  	[sflag:s2] =	ssyncset.done $0x0  }
0x149: {  	[sflag:s2] =	ssyncadd.s32 $0xFFFFC000  }
0x14a: {  	_ =	swait.ge [sflag:s2], $0x4000  }
0x14b: {  	[sflag:s2] =	ssyncset.done $0x0  }
0x14c: {  	[sflag:s2] =	ssyncadd.s32 $0xFFFFC000  }
0x14d: {  	_ =	swait.ge [sflag:s2], $0x4000  }
0x14e: {  	[sflag:s2] =	ssyncset.done $0x0  }
0x14f: {  	[sflag:s2] =	ssyncadd.s32 $0xFFFFC000  }
0x150: {  	_ =	swait.ge [sflag:s2], $0x4000  }
0x151: {  	[sflag:s2] =	ssyncset.done $0x0  }
0x152: {  	[sflag:s2] =	ssyncadd.s32 $0xFFFFC000  }
0x153: {  	_ =	swait.ge [sflag:s2], $0x4000  }
0x154: {  	[sflag:s2] =	ssyncset.done $0x0  }
0x155: {  	[sflag:s2] =	ssyncadd.s32 $0xFFFFC000  }
0x156: {  	_ =	swait.ge [sflag:s2], $0x4000  }
0x157: {  	[sflag:s2] =	ssyncset.done $0x0  }
0x158: {  	[sflag:s2] =	ssyncadd.s32 $0xFFFFC000  }
0x159: {  	_ =	swait.ge [sflag:s2], $0x4000  }
0x15a: {  	[sflag:s2] =	ssyncset.done $0x0  }
0x15b: {  	[sflag:s2] =	ssyncadd.s32 $0xFFFFC000  }
0x15c: {  	_ =	swait.ge [sflag:s2], $0x4000  }
0x15d: {  	[sflag:s2] =	ssyncset.done $0x0  }
0x15e: {  	[sflag:s2] =	ssyncadd.s32 $0xFFFFC000  }
0x15f: {  	_ =	swait.ge [sflag:s2], $0x4000  }
0x160: {  	[sflag:s2] =	ssyncset.done $0x0  }
0x161: {  	[sflag:s2] =	ssyncadd.s32 $0xFFFFC000  }
0x162: {  	_ =	swait.ge [sflag:s2], $0x4000  }
0x163: {  	[sflag:s2] =	ssyncset.done $0x0  }
0x164: {  	[sflag:s2] =	ssyncadd.s32 $0xFFFFC000  }
0x165: {  	_ =	swait.ge [sflag:s2], $0x4000  }
0x166: {  	[sflag:s2] =	ssyncset.done $0x0  }
0x167: {  	[sflag:s2] =	ssyncadd.s32 $0xFFFFC000  }
0x168: {  	_ =	swait.ge [sflag:s2], $0x4000  }
0x169: {  	[sflag:s2] =	ssyncset.done $0x0  }
0x16a: {  	[sflag:s2] =	ssyncadd.s32 $0xFFFFC000  }
0x16b: {  	_ =	swait.ge [sflag:s2], $0x4000  }
0x16c: {  	[sflag:s2] =	ssyncset.done $0x0  }
0x16d: {  	[sflag:s2] =	ssyncadd.s32 $0xFFFFC000  }
0x16e: {  	_ =	swait.ge [sflag:s2], $0x4000  }
0x16f: {  	[sflag:s2] =	ssyncset.done $0x0  }
0x170: {  	[sflag:s2] =	ssyncadd.s32 $0xFFFFC000  }
0x171: {  	_ =	swait.ge [sflag:s2], $0x4000  }
0x172: {  	[sflag:s2] =	ssyncset.done $0x0  }
0x173: {  	[sflag:s2] =	ssyncadd.s32 $0xFFFFC000  }
0x174: {  	_ =	swait.ge [sflag:s2], $0x4000  }
0x175: {  	[sflag:s2] =	ssyncset.done $0x0  }
0x176: {  	[sflag:s2] =	ssyncadd.s32 $0xFFFFC000  }
0x177: {  	_ =	swait.ge [sflag:s2], $0x4000  }
0x178: {  	[sflag:s2] =	ssyncset.done $0x0  }
0x179: {  	[sflag:s2] =	ssyncadd.s32 $0xFFFFC000  }
0x17a: {  	_ =	swait.ge [sflag:s2], $0x4000  }
0x17b: {  	[sflag:s2] =	ssyncset.done $0x0  }
0x17c: {  	[sflag:s2] =	ssyncadd.s32 $0xFFFFC000  }
0x17d: {  	_ =	swait.ge [sflag:s2], $0x4000  }
0x17e: {  	[sflag:s2] =	ssyncset.done $0x0  }
0x17f: {  	[sflag:s2] =	ssyncadd.s32 $0xFFFFC000  }
0x180: {  	_ =	swait.ge [sflag:s2], $0x4000  }
0x181: {  	[sflag:s2] =	ssyncset.done $0x0  }
0x182: {  	[sflag:s2] =	ssyncadd.s32 $0xFFFFC000  }
0x183: {  	_ =	swait.ge [sflag:s2], $0x4000  }
0x184: {  	[sflag:s2] =	ssyncset.done $0x0  }
0x185: {  	[sflag:s2] =	ssyncadd.s32 $0xFFFFC000  }
0x186: {  	_ =	swait.ge [sflag:s2], $0x4000  }
0x187: {  	[sflag:s2] =	ssyncset.done $0x0  }
0x188: {  	[sflag:s2] =	ssyncadd.s32 $0xFFFFC000  }
0x189: {  	_ =	swait.ge [sflag:s2], $0x4000  }
0x18a: {  	[sflag:s2] =	ssyncset.done $0x0  }
0x18b: {  	[sflag:s2] =	ssyncadd.s32 $0xFFFFC000  }
0x18c: {  	_ =	swait.ge [sflag:s2], $0x4000  }
0x18d: {  	[sflag:s2] =	ssyncset.done $0x0  }
0x18e: {  	[sflag:s2] =	ssyncadd.s32 $0xFFFFC000  }
0x18f: {  	_ =	swait.ge [sflag:s2], $0x4000  }
0x190: {  	[sflag:s2] =	ssyncset.done $0x0  }
0x191: {  	[sflag:s2] =	ssyncadd.s32 $0xFFFFC000  }
0x192: {  	_ =	sfence.sel $0x180000  }
0x193: {  	[bflag:$0x0] =	sbarrier.arrive $0xFFFF  }
0x194: {  	_ =	strace $0x90000047  }
0x195: {  	[bflag:$0x2] =	sbarrier.arrive $0xFFFF  }
0x196: {  	p0 =	sne.s32 s1, $0x0;
	s0 =	rddreg [dreg:$0x2]  }
0x197: {  	s0 =	sadd.s32 @!p0 $0x100000, s0  }
0x198: {  	[sflag:s0] =	ssyncadd.tile.s32 @!p0 $0x1;
	_ =	shalt  }
.Lfunc_end2:
_tile_overlayer_lowered:
.L_overlay_start_2:
0x199: {  	(tag) =	ssettag $0x2  }
0x19a: {  	s0 =	rddreg [dreg:$0x0];
	s2 =	stileid.u32  }
0x19b: {  	s1 =	rddreg [dreg:$0x1];
	p0 =	sne.s32 s2, $0x0  }
0x19c: {  	s3 =	rddreg [dreg:$0x2];
	[bflag:$0x3] =	sbarrier.arrive $0xFFFF;
	s2 =	simm.s32 @!p0 $0x1C02  }
0x19d: {  	[timem:s3], [sflag:s2] =	dma.local @!p0 [hbm:s0], s1  }
0x19e: {  	s0 =	simm.s32 @!p0 $0x2  }
0x19f: {  	_ =	swait.ge @!p0 [sflag:s0], s1  }
0x1a0: {  	s1 =	ssub.s32 @!p0 $0x0, s1;
	[sflag:s0] =	ssyncset.done @!p0 $0x0  }
0x1a1: {  	[sflag:s0] =	ssyncadd.s32 @!p0 s1  }
0x1a2: {  	[bflag:$0x3] =	sbarrier.arrive $0xFFFF  }
0x1a3: {  	_ =	shalt  }

</sc_bundles>
